<compile_context>
chip_gen: v7x
topology: tpu7x:2x2x1
jax: 0.10.2.dev20260603
libtpu: 0.0.44.dev20260713+nightly
codegen_flags: <defaults>
</compile_context>

<pallas_src>
import functools
import math

import jax
import jax.numpy as jnp
from jax import lax
from jax.experimental import pallas as pl
from jax.experimental.pallas import tpu as pltpu
from jax.experimental.pallas import tpu_sc as plsc

_N = 2048
_D = 768
_H = 3072
_E = 8
_T = 128
_NPAD = 3072
_NT = _NPAD // _T
_NW = 32


def _route_body(x_ref, wg_ref, bg_ref, dest_ref, poffs_ref, ntiles_ref):
    l = jnp.dot(x_ref[0], wg_ref[...], preferred_element_type=jnp.float32)
    l = l + bg_ref[...]
    idx = lax.broadcasted_iota(jnp.int32, l.shape, 1)
    m1 = jnp.max(l, axis=1, keepdims=True)
    i1 = jnp.min(jnp.where(l == m1, idx, _E), axis=1, keepdims=True)
    l2 = jnp.where(idx == i1, -jnp.inf, l)
    m2 = jnp.max(l2, axis=1, keepdims=True)
    i2 = jnp.min(jnp.where(l2 == m2, idx, _E), axis=1, keepdims=True)
    e_win = jnp.maximum(i1, i2)

    onehot = (idx == e_win).astype(jnp.float32)
    ri = lax.broadcasted_iota(jnp.int32, (_N, _N), 0)
    ci = lax.broadcasted_iota(jnp.int32, (_N, _N), 1)
    tri = (ci < ri).astype(jnp.bfloat16)
    rank = jnp.dot(tri, onehot.astype(jnp.bfloat16),
                   preferred_element_type=jnp.float32)
    counts = jnp.sum(onehot, axis=0, keepdims=True).astype(jnp.int32)
    pcounts = ((counts + (_T - 1)) // _T) * _T
    er = lax.broadcasted_iota(jnp.int32, (_E, _E), 0)
    ec = lax.broadcasted_iota(jnp.int32, (_E, _E), 1)
    incl = (er <= ec).astype(jnp.float32)
    pends = jnp.dot(pcounts.astype(jnp.float32), incl,
                    preferred_element_type=jnp.float32).astype(jnp.int32)
    poffs = pends - pcounts
    rank_t = jnp.sum(rank * onehot, axis=1, keepdims=True)
    poff_t = jnp.sum(poffs.astype(jnp.float32) * onehot, axis=1,
                     keepdims=True)
    dest_ref[...] = (poff_t + rank_t).astype(jnp.int32)
    poffs_ref[...] = poffs.reshape(_E, 1)
    ntiles_ref[...] = (pcounts // _T).reshape(_E, 1)


def _route(xf, Wg, bg2):
    return pl.pallas_call(
        _route_body,
        out_shape=(
            jax.ShapeDtypeStruct((_N, 1), jnp.int32),
            jax.ShapeDtypeStruct((_E, 1), jnp.int32),
            jax.ShapeDtypeStruct((_E, 1), jnp.int32),
        ),
    )(xf, Wg, bg2)


_KH = 2
_HC = _H // _KH


def _ffn_body(poffs_ref, ntiles_ref, x_ref, w1_ref, b1_ref, w2_ref, b2_ref,
              o_ref):
    e = pl.program_id(0)
    k = pl.program_id(1)
    off = pl.multiple_of(poffs_ref[e], _T)
    nt = ntiles_ref[e]

    def tile_body(i, _):
        sl = pl.ds(pl.multiple_of(off + i * _T, _T), _T)
        xt = x_ref[sl, :]
        h = jnp.dot(xt, w1_ref[0], preferred_element_type=jnp.float32)
        h = h + b1_ref[0]
        h = 0.5 * h * (1.0 + lax.erf(h * (1.0 / math.sqrt(2.0))))
        yk = 2.0 * jnp.dot(h, w2_ref[0], preferred_element_type=jnp.float32)

        @pl.when(k == 0)
        def _():
            o_ref[sl, :] = yk + 2.0 * b2_ref[0]

        @pl.when(k > 0)
        def _():
            o_ref[sl, :] = o_ref[sl, :] + yk

        return 0

    lax.fori_loop(0, nt, tile_body, 0)


def _ffn(poffs, ntiles, x_pad, W1, b1, W2, b2):
    grid_spec = pltpu.PrefetchScalarGridSpec(
        num_scalar_prefetch=2,
        grid=(_E, _KH),
        in_specs=[
            pl.BlockSpec((_NPAD, _D), lambda e, k, po, nt: (0, 0)),
            pl.BlockSpec((1, _D, _HC), lambda e, k, po, nt: (e, 0, k)),
            pl.BlockSpec((1, 1, _HC), lambda e, k, po, nt: (e, 0, k)),
            pl.BlockSpec((1, _HC, _D), lambda e, k, po, nt: (e, k, 0)),
            pl.BlockSpec((1, 1, _D), lambda e, k, po, nt: (e, 0, 0)),
        ],
        out_specs=pl.BlockSpec((_NPAD, _D), lambda e, k, po, nt: (0, 0)),
    )
    return pl.pallas_call(
        _ffn_body,
        grid_spec=grid_spec,
        out_shape=jax.ShapeDtypeStruct((_NPAD, _D), jnp.float32),
    )(poffs, ntiles, x_pad, W1, b1.reshape(_E, 1, _H), W2,
      b2.reshape(_E, 1, _D))


_BW = _N // _NW
_CH = _BW // 2
_mesh = plsc.VectorSubcoreMesh(core_axis_name="c", subcore_axis_name="s")


@functools.partial(
    pl.kernel,
    mesh=_mesh,
    out_type=jax.ShapeDtypeStruct((_NPAD, _D), jnp.float32),
    scratch_types=[
        pltpu.VMEM((2, _CH), jnp.int32),
        pltpu.VMEM((_CH, _D), jnp.float32),
        pltpu.VMEM((_CH, _D), jnp.float32),
        pltpu.SemaphoreType.DMA,
        pltpu.SemaphoreType.DMA,
    ],
)
def _sc_dispatch(x_hbm, dest_hbm, out_hbm, idx_v, rows_a, rows_b, sa, sb):
    wid = lax.axis_index("s") * 2 + lax.axis_index("c")
    base = wid * _BW
    pltpu.sync_copy(dest_hbm.at[wid], idx_v)
    pltpu.sync_copy(x_hbm.at[0, pl.ds(base, _CH)], rows_a)
    cp0 = pltpu.async_copy(rows_a, out_hbm.at[idx_v.at[0]], sa)
    pltpu.sync_copy(x_hbm.at[0, pl.ds(base + _CH, _CH)], rows_b)
    cp1 = pltpu.async_copy(rows_b, out_hbm.at[idx_v.at[1]], sb)
    cp0.wait()
    cp1.wait()


@functools.partial(
    pl.kernel,
    mesh=_mesh,
    out_type=jax.ShapeDtypeStruct((1, _N, _D), jnp.float32),
    scratch_types=[
        pltpu.VMEM((2, _CH), jnp.int32),
        pltpu.VMEM((_CH, _D), jnp.float32),
        pltpu.VMEM((_CH, _D), jnp.float32),
        pltpu.SemaphoreType.DMA,
        pltpu.SemaphoreType.DMA,
    ],
)
def _sc_combine(y_hbm, dest_hbm, out_hbm, idx_v, rows_a, rows_b, sa, sb):
    wid = lax.axis_index("s") * 2 + lax.axis_index("c")
    base = wid * _BW
    pltpu.sync_copy(dest_hbm.at[wid], idx_v)
    g0 = pltpu.async_copy(y_hbm.at[idx_v.at[0]], rows_a, sa)
    g1 = pltpu.async_copy(y_hbm.at[idx_v.at[1]], rows_b, sb)
    g0.wait()
    pltpu.sync_copy(rows_a, out_hbm.at[0, pl.ds(base, _CH)])
    g1.wait()
    pltpu.sync_copy(rows_b, out_hbm.at[0, pl.ds(base + _CH, _CH)])


def kernel(x, Wg, bg, W1, b1, W2, b2):
    dest, poffs, ntiles = _route(x, Wg, bg.reshape(1, _E))
    dest2 = dest.reshape(_NW, 2, _CH)
    x_pad = _sc_dispatch(x, dest2)
    y_pad = _ffn(poffs[:, 0], ntiles[:, 0], x_pad, W1, b1, W2, b2)
    return _sc_combine(y_pad, dest2)

# --- scband reference (transcript-rebuilt; emitter-appended) ---
"""Pipeline reference for scband-switch-transformer-routing-15006615733154 (READ-ONLY COPY).

The authoritative reference and input builder live on the scoring server;
editing this copy changes nothing except your own understanding.
"""

import jax, jax.numpy as jnp
import numpy as np

DIM = 768
E = 8
TOPK = 2
B = 1
N = 2048


def setup_inputs(seed: int = 0) -> dict:
    key = jax.random.key(seed)
    ks = jax.random.split(key, 7)
    x = jax.random.normal(ks[0], (B, N, DIM), dtype=jnp.float32)
    s_g = 1.0 / np.sqrt(DIM)
    Wg = jax.random.uniform(ks[1], (DIM, E), minval=-s_g, maxval=s_g, dtype=jnp.float32)
    bg = jax.random.uniform(ks[2], (E,), minval=-s_g, maxval=s_g, dtype=jnp.float32)
    W1 = jax.random.uniform(ks[3], (E, DIM, 4 * DIM), minval=-s_g, maxval=s_g, dtype=jnp.float32)
    b1 = jax.random.uniform(ks[4], (E, 4 * DIM), minval=-s_g, maxval=s_g, dtype=jnp.float32)
    s2 = 1.0 / np.sqrt(4 * DIM)
    W2 = jax.random.uniform(ks[5], (E, 4 * DIM, DIM), minval=-s2, maxval=s2, dtype=jnp.float32)
    b2 = jax.random.uniform(ks[6], (E, DIM), minval=-s2, maxval=s2, dtype=jnp.float32)
    return {"x": x, "Wg": Wg, "bg": bg, "W1": W1, "b1": b1, "W2": W2, "b2": b2}


def reference(x, Wg, bg, W1, b1, W2, b2):
    # Faithful translation of SwitchTransformerRouting.forward (eval mode, no noise).
    # Note on original torch semantics: expert_inputs equals flat_x replicated top_k
    # times (the gather along dim 1 of an expanded tensor is an identity), and the
    # per-expert loop OVERWRITES the full [top_k, C] block for every token whose
    # top-k set contains expert i. Since the loop runs i = 0..E-1 in ascending
    # order, the surviving block belongs to the LARGEST expert index in each
    # token's top-k set, repeated top_k times. The final sum over the top_k axis
    # therefore yields top_k * expert_{max_idx}(x_t). The normalized top-k logits
    # are computed but never used (kept here for faithfulness).
    B_, N_, C = x.shape
    flat_x = x.reshape(-1, C)
    logits = flat_x @ Wg + bg
    top_k_logits, top_k_indices = jax.lax.top_k(logits, TOPK)
    top_k_logits = top_k_logits - jax.scipy.special.logsumexp(top_k_logits, axis=-1, keepdims=True)  # unused, as in original
    e_win = jnp.max(top_k_indices, axis=-1)  # largest expert index survives the overwrite loop
    # Compute all experts densely (static shapes), then select the winning one.
    h = jax.nn.gelu(jnp.einsum('tc,ecf->tef', flat_x, W1) + b1[None, :, :], approximate=False)
    y = jnp.einsum('tef,efc->tec', h, W2) + b2[None, :, :]
    y_sel = jnp.take_along_axis(y, e_win[:, None, None], axis=1)[:, 0, :]
    out = float(TOPK) * y_sel
    return out.reshape(B_, N_, C)

if __name__ == "__main__":
    import jax
    _d = setup_inputs()
    print(jax.jit(kernel)(*tuple(_d.values())))

</pallas_src>

<mosaic_0001>
#map = affine_map<(d0, d1) -> (0, 0, 0)>
#map1 = affine_map<(d0, d1) -> (0, 0)>
module attributes {stable_mosaic.version = 14 : i64} {
  func.func @_sc_dispatch(%arg0: i32, %arg1: i32, %arg2: memref<1x2048x768xf32, #tpu.memory_space<hbm>>, %arg3: memref<32x2x32xi32, #tpu.memory_space<hbm>>, %arg4: memref<3072x768xf32, #tpu.memory_space<hbm>>, %arg5: memref<2x32xi32, #tpu.memory_space<vmem>>, %arg6: memref<32x768xf32, #tpu.memory_space<vmem>>, %arg7: memref<32x768xf32, #tpu.memory_space<vmem>>, %arg8: memref<!tpu.dma_semaphore, #tpu.memory_space<semaphore_mem>>, %arg9: memref<!tpu.dma_semaphore, #tpu.memory_space<semaphore_mem>>) attributes {dimension_semantics = [#tpu.dimension_semantics<core_parallel>, #tpu.dimension_semantics<subcore_parallel>], iteration_bounds = array<i64: 2, 16>, scalar_prefetch = 0 : i64, scratch_operands = 5 : i64, tpu.core_type = #tpu.core_type<sc_vector_subcore>, window_params = [{transform_indices = #map}, {transform_indices = #map}, {transform_indices = #map1}]} {
    %mul3A = arith.constant 2 : i32
    %mul3A_0 = arith.muli %arg1, %mul3A : i32
    %add3A = arith.addi %mul3A_0, %arg0 : i32
    %mul3A_1 = arith.constant 64 : i32
    %mul3A_2 = arith.muli %add3A, %mul3A_1 : i32
    "tpu.region"() ({
      %run_scoped3A_32 = tpu.sem_alloc : memref<!tpu.dma_semaphore, #tpu.memory_space<semaphore_mem>>
      %dma_start3A_33 = arith.constant 0 : i32
      %dma_start3A_34 = arith.constant 0 : i32
      %dma_start3A_35 = tpu.memref_slice %arg3[%add3A, %dma_start3A_33, %dma_start3A_34] : memref<32x2x32xi32, #tpu.memory_space<hbm>> -> memref<1x2x32xi32, #tpu.memory_space<hbm>>
      %dma_start3A_36 = tpu.memref_squeeze %dma_start3A_35 : memref<1x2x32xi32, #tpu.memory_space<hbm>> -> memref<2x32xi32, #tpu.memory_space<hbm>>
      %dma_start3A_37 = arith.constant 0 : i32
      %dma_start3A_38 = arith.constant 0 : i32
      %dma_start3A_39 = tpu.memref_slice %arg3[%add3A, %dma_start3A_37, %dma_start3A_38] : memref<32x2x32xi32, #tpu.memory_space<hbm>> -> memref<1x2x32xi32, #tpu.memory_space<hbm>>
      %dma_start3A_40 = tpu.memref_squeeze %dma_start3A_39 : memref<1x2x32xi32, #tpu.memory_space<hbm>> -> memref<2x32xi32, #tpu.memory_space<hbm>>
      tpu.enqueue_dma source(%dma_start3A_40 : memref<2x32xi32, #tpu.memory_space<hbm>>) target(%arg5 : memref<2x32xi32, #tpu.memory_space<vmem>>) target_semaphore(%run_scoped3A_32 : memref<!tpu.dma_semaphore, #tpu.memory_space<semaphore_mem>>)
      %dma_wait3A_41 = arith.constant 0 : i32
      %dma_wait3A_42 = arith.constant 0 : i32
      %dma_wait3A_43 = tpu.memref_slice %arg3[%add3A, %dma_wait3A_41, %dma_wait3A_42] : memref<32x2x32xi32, #tpu.memory_space<hbm>> -> memref<1x2x32xi32, #tpu.memory_space<hbm>>
      %dma_wait3A_44 = tpu.memref_squeeze %dma_wait3A_43 : memref<1x2x32xi32, #tpu.memory_space<hbm>> -> memref<2x32xi32, #tpu.memory_space<hbm>>
      %dma_wait3A_45 = arith.constant 0 : i32
      %dma_wait3A_46 = arith.constant 0 : i32
      %dma_wait3A_47 = tpu.memref_slice %arg3[%add3A, %dma_wait3A_45, %dma_wait3A_46] : memref<32x2x32xi32, #tpu.memory_space<hbm>> -> memref<1x2x32xi32, #tpu.memory_space<hbm>>
      %dma_wait3A_48 = tpu.memref_squeeze %dma_wait3A_47 : memref<1x2x32xi32, #tpu.memory_space<hbm>> -> memref<2x32xi32, #tpu.memory_space<hbm>>
      tpu.wait_dma2 semaphore(%run_scoped3A_32 : memref<!tpu.dma_semaphore, #tpu.memory_space<semaphore_mem>>) src(%dma_wait3A_48 : memref<2x32xi32, #tpu.memory_space<hbm>>) dst(%arg5 : memref<2x32xi32, #tpu.memory_space<vmem>>)
      tpu.yield
    }) : () -> ()
    %run_scoped3A = arith.constant 0 : i32
    "tpu.region"() ({
      %run_scoped3A_32 = tpu.sem_alloc : memref<!tpu.dma_semaphore, #tpu.memory_space<semaphore_mem>>
      %dma_start3A_33 = arith.constant 0 : i32
      %dma_start3A_34 = tpu.memref_slice %arg2[%run_scoped3A, %mul3A_2, %dma_start3A_33] : memref<1x2048x768xf32, #tpu.memory_space<hbm>> -> memref<1x32x768xf32, #tpu.memory_space<hbm>>
      %dma_start3A_35 = tpu.memref_squeeze %dma_start3A_34 : memref<1x32x768xf32, #tpu.memory_space<hbm>> -> memref<32x768xf32, #tpu.memory_space<hbm>>
      %dma_start3A_36 = arith.constant 0 : i32
      %dma_start3A_37 = tpu.memref_slice %arg2[%run_scoped3A, %mul3A_2, %dma_start3A_36] : memref<1x2048x768xf32, #tpu.memory_space<hbm>> -> memref<1x32x768xf32, #tpu.memory_space<hbm>>
      %dma_start3A_38 = tpu.memref_squeeze %dma_start3A_37 : memref<1x32x768xf32, #tpu.memory_space<hbm>> -> memref<32x768xf32, #tpu.memory_space<hbm>>
      tpu.enqueue_dma source(%dma_start3A_38 : memref<32x768xf32, #tpu.memory_space<hbm>>) target(%arg6 : memref<32x768xf32, #tpu.memory_space<vmem>>) target_semaphore(%run_scoped3A_32 : memref<!tpu.dma_semaphore, #tpu.memory_space<semaphore_mem>>)
      %dma_wait3A_39 = arith.constant 0 : i32
      %dma_wait3A_40 = tpu.memref_slice %arg2[%run_scoped3A, %mul3A_2, %dma_wait3A_39] : memref<1x2048x768xf32, #tpu.memory_space<hbm>> -> memref<1x32x768xf32, #tpu.memory_space<hbm>>
      %dma_wait3A_41 = tpu.memref_squeeze %dma_wait3A_40 : memref<1x32x768xf32, #tpu.memory_space<hbm>> -> memref<32x768xf32, #tpu.memory_space<hbm>>
      %dma_wait3A_42 = arith.constant 0 : i32
      %dma_wait3A_43 = tpu.memref_slice %arg2[%run_scoped3A, %mul3A_2, %dma_wait3A_42] : memref<1x2048x768xf32, #tpu.memory_space<hbm>> -> memref<1x32x768xf32, #tpu.memory_space<hbm>>
      %dma_wait3A_44 = tpu.memref_squeeze %dma_wait3A_43 : memref<1x32x768xf32, #tpu.memory_space<hbm>> -> memref<32x768xf32, #tpu.memory_space<hbm>>
      tpu.wait_dma2 semaphore(%run_scoped3A_32 : memref<!tpu.dma_semaphore, #tpu.memory_space<semaphore_mem>>) src(%dma_wait3A_44 : memref<32x768xf32, #tpu.memory_space<hbm>>) dst(%arg6 : memref<32x768xf32, #tpu.memory_space<vmem>>)
      tpu.yield
    }) : () -> ()
    %dma_start3A = arith.constant 0 : i32
    %dma_start3A_3 = arith.constant 0 : i32
    %dma_start3A_4 = tpu.memref_slice %arg5[%dma_start3A, %dma_start3A_3] : memref<2x32xi32, #tpu.memory_space<vmem>> -> memref<1x32xi32, #tpu.memory_space<vmem>>
    %dma_start3A_5 = tpu.memref_squeeze %dma_start3A_4 : memref<1x32xi32, #tpu.memory_space<vmem>> -> memref<32xi32, #tpu.memory_space<vmem>>
    %dma_start3A_6 = arith.constant 0 : i32
    %dma_start3A_7 = arith.constant 0 : i32
    %dma_start3A_8 = tpu.memref_slice %arg4[%dma_start3A_6, %dma_start3A_7] : memref<3072x768xf32, #tpu.memory_space<hbm>> -> memref<3072x768xf32, #tpu.memory_space<hbm>>
    tpu.enqueue_indirect_dma source(%arg6 : memref<32x768xf32, #tpu.memory_space<vmem>>) target(%dma_start3A_8 : memref<3072x768xf32, #tpu.memory_space<hbm>>) offsets(%dma_start3A_5 : memref<32xi32, #tpu.memory_space<vmem>>) semaphore(%arg8 : memref<!tpu.dma_semaphore, #tpu.memory_space<semaphore_mem>>)
    %add3A_9 = arith.constant 32 : i32
    %add3A_10 = arith.addi %mul3A_2, %add3A_9 : i32
    %run_scoped3A_11 = arith.constant 0 : i32
    "tpu.region"() ({
      %run_scoped3A_32 = tpu.sem_alloc : memref<!tpu.dma_semaphore, #tpu.memory_space<semaphore_mem>>
      %dma_start3A_33 = arith.constant 0 : i32
      %dma_start3A_34 = tpu.memref_slice %arg2[%run_scoped3A_11, %add3A_10, %dma_start3A_33] : memref<1x2048x768xf32, #tpu.memory_space<hbm>> -> memref<1x32x768xf32, #tpu.memory_space<hbm>>
      %dma_start3A_35 = tpu.memref_squeeze %dma_start3A_34 : memref<1x32x768xf32, #tpu.memory_space<hbm>> -> memref<32x768xf32, #tpu.memory_space<hbm>>
      %dma_start3A_36 = arith.constant 0 : i32
      %dma_start3A_37 = tpu.memref_slice %arg2[%run_scoped3A_11, %add3A_10, %dma_start3A_36] : memref<1x2048x768xf32, #tpu.memory_space<hbm>> -> memref<1x32x768xf32, #tpu.memory_space<hbm>>
      %dma_start3A_38 = tpu.memref_squeeze %dma_start3A_37 : memref<1x32x768xf32, #tpu.memory_space<hbm>> -> memref<32x768xf32, #tpu.memory_space<hbm>>
      tpu.enqueue_dma source(%dma_start3A_38 : memref<32x768xf32, #tpu.memory_space<hbm>>) target(%arg7 : memref<32x768xf32, #tpu.memory_space<vmem>>) target_semaphore(%run_scoped3A_32 : memref<!tpu.dma_semaphore, #tpu.memory_space<semaphore_mem>>)
      %dma_wait3A_39 = arith.constant 0 : i32
      %dma_wait3A_40 = tpu.memref_slice %arg2[%run_scoped3A_11, %add3A_10, %dma_wait3A_39] : memref<1x2048x768xf32, #tpu.memory_space<hbm>> -> memref<1x32x768xf32, #tpu.memory_space<hbm>>
      %dma_wait3A_41 = tpu.memref_squeeze %dma_wait3A_40 : memref<1x32x768xf32, #tpu.memory_space<hbm>> -> memref<32x768xf32, #tpu.memory_space<hbm>>
      %dma_wait3A_42 = arith.constant 0 : i32
      %dma_wait3A_43 = tpu.memref_slice %arg2[%run_scoped3A_11, %add3A_10, %dma_wait3A_42] : memref<1x2048x768xf32, #tpu.memory_space<hbm>> -> memref<1x32x768xf32, #tpu.memory_space<hbm>>
      %dma_wait3A_44 = tpu.memref_squeeze %dma_wait3A_43 : memref<1x32x768xf32, #tpu.memory_space<hbm>> -> memref<32x768xf32, #tpu.memory_space<hbm>>
      tpu.wait_dma2 semaphore(%run_scoped3A_32 : memref<!tpu.dma_semaphore, #tpu.memory_space<semaphore_mem>>) src(%dma_wait3A_44 : memref<32x768xf32, #tpu.memory_space<hbm>>) dst(%arg7 : memref<32x768xf32, #tpu.memory_space<vmem>>)
      tpu.yield
    }) : () -> ()
    %dma_start3A_12 = arith.constant 1 : i32
    %dma_start3A_13 = arith.constant 0 : i32
    %dma_start3A_14 = tpu.memref_slice %arg5[%dma_start3A_12, %dma_start3A_13] : memref<2x32xi32, #tpu.memory_space<vmem>> -> memref<1x32xi32, #tpu.memory_space<vmem>>
    %dma_start3A_15 = tpu.memref_squeeze %dma_start3A_14 : memref<1x32xi32, #tpu.memory_space<vmem>> -> memref<32xi32, #tpu.memory_space<vmem>>
    %dma_start3A_16 = arith.constant 0 : i32
    %dma_start3A_17 = arith.constant 0 : i32
    %dma_start3A_18 = tpu.memref_slice %arg4[%dma_start3A_16, %dma_start3A_17] : memref<3072x768xf32, #tpu.memory_space<hbm>> -> memref<3072x768xf32, #tpu.memory_space<hbm>>
    tpu.enqueue_indirect_dma source(%arg7 : memref<32x768xf32, #tpu.memory_space<vmem>>) target(%dma_start3A_18 : memref<3072x768xf32, #tpu.memory_space<hbm>>) offsets(%dma_start3A_15 : memref<32xi32, #tpu.memory_space<vmem>>) semaphore(%arg9 : memref<!tpu.dma_semaphore, #tpu.memory_space<semaphore_mem>>)
    %dma_wait3A = arith.constant 0 : i32
    %dma_wait3A_19 = arith.constant 0 : i32
    %dma_wait3A_20 = tpu.memref_slice %arg5[%dma_wait3A, %dma_wait3A_19] : memref<2x32xi32, #tpu.memory_space<vmem>> -> memref<1x32xi32, #tpu.memory_space<vmem>>
    %dma_wait3A_21 = tpu.memref_squeeze %dma_wait3A_20 : memref<1x32xi32, #tpu.memory_space<vmem>> -> memref<32xi32, #tpu.memory_space<vmem>>
    %dma_wait3A_22 = arith.constant 0 : i32
    %dma_wait3A_23 = arith.constant 0 : i32
    %dma_wait3A_24 = tpu.memref_slice %arg4[%dma_wait3A_22, %dma_wait3A_23] : memref<3072x768xf32, #tpu.memory_space<hbm>> -> memref<3072x768xf32, #tpu.memory_space<hbm>>
    tpu.wait_indirect_dma semaphore(%arg8 : memref<!tpu.dma_semaphore, #tpu.memory_space<semaphore_mem>>) src(%arg6 : memref<32x768xf32, #tpu.memory_space<vmem>>) dst(%dma_wait3A_24 : memref<3072x768xf32, #tpu.memory_space<hbm>>)
    %dma_wait3A_25 = arith.constant 1 : i32
    %dma_wait3A_26 = arith.constant 0 : i32
    %dma_wait3A_27 = tpu.memref_slice %arg5[%dma_wait3A_25, %dma_wait3A_26] : memref<2x32xi32, #tpu.memory_space<vmem>> -> memref<1x32xi32, #tpu.memory_space<vmem>>
    %dma_wait3A_28 = tpu.memref_squeeze %dma_wait3A_27 : memref<1x32xi32, #tpu.memory_space<vmem>> -> memref<32xi32, #tpu.memory_space<vmem>>
    %dma_wait3A_29 = arith.constant 0 : i32
    %dma_wait3A_30 = arith.constant 0 : i32
    %dma_wait3A_31 = tpu.memref_slice %arg4[%dma_wait3A_29, %dma_wait3A_30] : memref<3072x768xf32, #tpu.memory_space<hbm>> -> memref<3072x768xf32, #tpu.memory_space<hbm>>
    tpu.wait_indirect_dma semaphore(%arg9 : memref<!tpu.dma_semaphore, #tpu.memory_space<semaphore_mem>>) src(%arg7 : memref<32x768xf32, #tpu.memory_space<vmem>>) dst(%dma_wait3A_31 : memref<3072x768xf32, #tpu.memory_space<hbm>>)
    return
  }
}

#map = affine_map<(d0, d1) -> (0, 0)>
#map1 = affine_map<(d0, d1) -> (0, 0, 0)>
module attributes {stable_mosaic.version = 14 : i64} {
  func.func @_sc_combine(%arg0: i32, %arg1: i32, %arg2: memref<3072x768xf32, #tpu.memory_space<hbm>>, %arg3: memref<32x2x32xi32, #tpu.memory_space<hbm>>, %arg4: memref<1x2048x768xf32, #tpu.memory_space<hbm>>, %arg5: memref<2x32xi32, #tpu.memory_space<vmem>>, %arg6: memref<32x768xf32, #tpu.memory_space<vmem>>, %arg7: memref<32x768xf32, #tpu.memory_space<vmem>>, %arg8: memref<!tpu.dma_semaphore, #tpu.memory_space<semaphore_mem>>, %arg9: memref<!tpu.dma_semaphore, #tpu.memory_space<semaphore_mem>>) attributes {dimension_semantics = [#tpu.dimension_semantics<core_parallel>, #tpu.dimension_semantics<subcore_parallel>], iteration_bounds = array<i64: 2, 16>, scalar_prefetch = 0 : i64, scratch_operands = 5 : i64, tpu.core_type = #tpu.core_type<sc_vector_subcore>, window_params = [{transform_indices = #map}, {transform_indices = #map1}, {transform_indices = #map1}]} {
    %mul3A = arith.constant 2 : i32
    %mul3A_0 = arith.muli %arg1, %mul3A : i32
    %add3A = arith.addi %mul3A_0, %arg0 : i32
    %mul3A_1 = arith.constant 64 : i32
    %mul3A_2 = arith.muli %add3A, %mul3A_1 : i32
    "tpu.region"() ({
      %run_scoped3A_32 = tpu.sem_alloc : memref<!tpu.dma_semaphore, #tpu.memory_space<semaphore_mem>>
      %dma_start3A_33 = arith.constant 0 : i32
      %dma_start3A_34 = arith.constant 0 : i32
      %dma_start3A_35 = tpu.memref_slice %arg3[%add3A, %dma_start3A_33, %dma_start3A_34] : memref<32x2x32xi32, #tpu.memory_space<hbm>> -> memref<1x2x32xi32, #tpu.memory_space<hbm>>
      %dma_start3A_36 = tpu.memref_squeeze %dma_start3A_35 : memref<1x2x32xi32, #tpu.memory_space<hbm>> -> memref<2x32xi32, #tpu.memory_space<hbm>>
      %dma_start3A_37 = arith.constant 0 : i32
      %dma_start3A_38 = arith.constant 0 : i32
      %dma_start3A_39 = tpu.memref_slice %arg3[%add3A, %dma_start3A_37, %dma_start3A_38] : memref<32x2x32xi32, #tpu.memory_space<hbm>> -> memref<1x2x32xi32, #tpu.memory_space<hbm>>
      %dma_start3A_40 = tpu.memref_squeeze %dma_start3A_39 : memref<1x2x32xi32, #tpu.memory_space<hbm>> -> memref<2x32xi32, #tpu.memory_space<hbm>>
      tpu.enqueue_dma source(%dma_start3A_40 : memref<2x32xi32, #tpu.memory_space<hbm>>) target(%arg5 : memref<2x32xi32, #tpu.memory_space<vmem>>) target_semaphore(%run_scoped3A_32 : memref<!tpu.dma_semaphore, #tpu.memory_space<semaphore_mem>>)
      %dma_wait3A_41 = arith.constant 0 : i32
      %dma_wait3A_42 = arith.constant 0 : i32
      %dma_wait3A_43 = tpu.memref_slice %arg3[%add3A, %dma_wait3A_41, %dma_wait3A_42] : memref<32x2x32xi32, #tpu.memory_space<hbm>> -> memref<1x2x32xi32, #tpu.memory_space<hbm>>
      %dma_wait3A_44 = tpu.memref_squeeze %dma_wait3A_43 : memref<1x2x32xi32, #tpu.memory_space<hbm>> -> memref<2x32xi32, #tpu.memory_space<hbm>>
      %dma_wait3A_45 = arith.constant 0 : i32
      %dma_wait3A_46 = arith.constant 0 : i32
      %dma_wait3A_47 = tpu.memref_slice %arg3[%add3A, %dma_wait3A_45, %dma_wait3A_46] : memref<32x2x32xi32, #tpu.memory_space<hbm>> -> memref<1x2x32xi32, #tpu.memory_space<hbm>>
      %dma_wait3A_48 = tpu.memref_squeeze %dma_wait3A_47 : memref<1x2x32xi32, #tpu.memory_space<hbm>> -> memref<2x32xi32, #tpu.memory_space<hbm>>
      tpu.wait_dma2 semaphore(%run_scoped3A_32 : memref<!tpu.dma_semaphore, #tpu.memory_space<semaphore_mem>>) src(%dma_wait3A_48 : memref<2x32xi32, #tpu.memory_space<hbm>>) dst(%arg5 : memref<2x32xi32, #tpu.memory_space<vmem>>)
      tpu.yield
    }) : () -> ()
    %dma_start3A = arith.constant 0 : i32
    %dma_start3A_3 = arith.constant 0 : i32
    %dma_start3A_4 = tpu.memref_slice %arg5[%dma_start3A, %dma_start3A_3] : memref<2x32xi32, #tpu.memory_space<vmem>> -> memref<1x32xi32, #tpu.memory_space<vmem>>
    %dma_start3A_5 = tpu.memref_squeeze %dma_start3A_4 : memref<1x32xi32, #tpu.memory_space<vmem>> -> memref<32xi32, #tpu.memory_space<vmem>>
    %dma_start3A_6 = arith.constant 0 : i32
    %dma_start3A_7 = arith.constant 0 : i32
    %dma_start3A_8 = tpu.memref_slice %arg2[%dma_start3A_6, %dma_start3A_7] : memref<3072x768xf32, #tpu.memory_space<hbm>> -> memref<3072x768xf32, #tpu.memory_space<hbm>>
    tpu.enqueue_indirect_dma source(%dma_start3A_8 : memref<3072x768xf32, #tpu.memory_space<hbm>>) target(%arg6 : memref<32x768xf32, #tpu.memory_space<vmem>>) offsets(%dma_start3A_5 : memref<32xi32, #tpu.memory_space<vmem>>) semaphore(%arg8 : memref<!tpu.dma_semaphore, #tpu.memory_space<semaphore_mem>>)
    %dma_start3A_9 = arith.constant 1 : i32
    %dma_start3A_10 = arith.constant 0 : i32
    %dma_start3A_11 = tpu.memref_slice %arg5[%dma_start3A_9, %dma_start3A_10] : memref<2x32xi32, #tpu.memory_space<vmem>> -> memref<1x32xi32, #tpu.memory_space<vmem>>
    %dma_start3A_12 = tpu.memref_squeeze %dma_start3A_11 : memref<1x32xi32, #tpu.memory_space<vmem>> -> memref<32xi32, #tpu.memory_space<vmem>>
    %dma_start3A_13 = arith.constant 0 : i32
    %dma_start3A_14 = arith.constant 0 : i32
    %dma_start3A_15 = tpu.memref_slice %arg2[%dma_start3A_13, %dma_start3A_14] : memref<3072x768xf32, #tpu.memory_space<hbm>> -> memref<3072x768xf32, #tpu.memory_space<hbm>>
    tpu.enqueue_indirect_dma source(%dma_start3A_15 : memref<3072x768xf32, #tpu.memory_space<hbm>>) target(%arg7 : memref<32x768xf32, #tpu.memory_space<vmem>>) offsets(%dma_start3A_12 : memref<32xi32, #tpu.memory_space<vmem>>) semaphore(%arg9 : memref<!tpu.dma_semaphore, #tpu.memory_space<semaphore_mem>>)
    %dma_wait3A = arith.constant 0 : i32
    %dma_wait3A_16 = arith.constant 0 : i32
    %dma_wait3A_17 = tpu.memref_slice %arg5[%dma_wait3A, %dma_wait3A_16] : memref<2x32xi32, #tpu.memory_space<vmem>> -> memref<1x32xi32, #tpu.memory_space<vmem>>
    %dma_wait3A_18 = tpu.memref_squeeze %dma_wait3A_17 : memref<1x32xi32, #tpu.memory_space<vmem>> -> memref<32xi32, #tpu.memory_space<vmem>>
    %dma_wait3A_19 = arith.constant 0 : i32
    %dma_wait3A_20 = arith.constant 0 : i32
    %dma_wait3A_21 = tpu.memref_slice %arg2[%dma_wait3A_19, %dma_wait3A_20] : memref<3072x768xf32, #tpu.memory_space<hbm>> -> memref<3072x768xf32, #tpu.memory_space<hbm>>
    tpu.wait_indirect_dma semaphore(%arg8 : memref<!tpu.dma_semaphore, #tpu.memory_space<semaphore_mem>>) src(%dma_wait3A_21 : memref<3072x768xf32, #tpu.memory_space<hbm>>) dst(%arg6 : memref<32x768xf32, #tpu.memory_space<vmem>>)
    %run_scoped3A = arith.constant 0 : i32
    "tpu.region"() ({
      %run_scoped3A_32 = tpu.sem_alloc : memref<!tpu.dma_semaphore, #tpu.memory_space<semaphore_mem>>
      %dma_start3A_33 = arith.constant 0 : i32
      %dma_start3A_34 = tpu.memref_slice %arg4[%run_scoped3A, %mul3A_2, %dma_start3A_33] : memref<1x2048x768xf32, #tpu.memory_space<hbm>> -> memref<1x32x768xf32, #tpu.memory_space<hbm>>
      %dma_start3A_35 = tpu.memref_squeeze %dma_start3A_34 : memref<1x32x768xf32, #tpu.memory_space<hbm>> -> memref<32x768xf32, #tpu.memory_space<hbm>>
      %dma_start3A_36 = arith.constant 0 : i32
      %dma_start3A_37 = tpu.memref_slice %arg4[%run_scoped3A, %mul3A_2, %dma_start3A_36] : memref<1x2048x768xf32, #tpu.memory_space<hbm>> -> memref<1x32x768xf32, #tpu.memory_space<hbm>>
      %dma_start3A_38 = tpu.memref_squeeze %dma_start3A_37 : memref<1x32x768xf32, #tpu.memory_space<hbm>> -> memref<32x768xf32, #tpu.memory_space<hbm>>
      tpu.enqueue_dma source(%arg6 : memref<32x768xf32, #tpu.memory_space<vmem>>) target(%dma_start3A_38 : memref<32x768xf32, #tpu.memory_space<hbm>>) target_semaphore(%run_scoped3A_32 : memref<!tpu.dma_semaphore, #tpu.memory_space<semaphore_mem>>)
      %dma_wait3A_39 = arith.constant 0 : i32
      %dma_wait3A_40 = tpu.memref_slice %arg4[%run_scoped3A, %mul3A_2, %dma_wait3A_39] : memref<1x2048x768xf32, #tpu.memory_space<hbm>> -> memref<1x32x768xf32, #tpu.memory_space<hbm>>
      %dma_wait3A_41 = tpu.memref_squeeze %dma_wait3A_40 : memref<1x32x768xf32, #tpu.memory_space<hbm>> -> memref<32x768xf32, #tpu.memory_space<hbm>>
      %dma_wait3A_42 = arith.constant 0 : i32
      %dma_wait3A_43 = tpu.memref_slice %arg4[%run_scoped3A, %mul3A_2, %dma_wait3A_42] : memref<1x2048x768xf32, #tpu.memory_space<hbm>> -> memref<1x32x768xf32, #tpu.memory_space<hbm>>
      %dma_wait3A_44 = tpu.memref_squeeze %dma_wait3A_43 : memref<1x32x768xf32, #tpu.memory_space<hbm>> -> memref<32x768xf32, #tpu.memory_space<hbm>>
      tpu.wait_dma2 semaphore(%run_scoped3A_32 : memref<!tpu.dma_semaphore, #tpu.memory_space<semaphore_mem>>) src(%arg6 : memref<32x768xf32, #tpu.memory_space<vmem>>) dst(%dma_wait3A_44 : memref<32x768xf32, #tpu.memory_space<hbm>>)
      tpu.yield
    }) : () -> ()
    %dma_wait3A_22 = arith.constant 1 : i32
    %dma_wait3A_23 = arith.constant 0 : i32
    %dma_wait3A_24 = tpu.memref_slice %arg5[%dma_wait3A_22, %dma_wait3A_23] : memref<2x32xi32, #tpu.memory_space<vmem>> -> memref<1x32xi32, #tpu.memory_space<vmem>>
    %dma_wait3A_25 = tpu.memref_squeeze %dma_wait3A_24 : memref<1x32xi32, #tpu.memory_space<vmem>> -> memref<32xi32, #tpu.memory_space<vmem>>
    %dma_wait3A_26 = arith.constant 0 : i32
    %dma_wait3A_27 = arith.constant 0 : i32
    %dma_wait3A_28 = tpu.memref_slice %arg2[%dma_wait3A_26, %dma_wait3A_27] : memref<3072x768xf32, #tpu.memory_space<hbm>> -> memref<3072x768xf32, #tpu.memory_space<hbm>>
    tpu.wait_indirect_dma semaphore(%arg9 : memref<!tpu.dma_semaphore, #tpu.memory_space<semaphore_mem>>) src(%dma_wait3A_28 : memref<3072x768xf32, #tpu.memory_space<hbm>>) dst(%arg7 : memref<32x768xf32, #tpu.memory_space<vmem>>)
    %add3A_29 = arith.constant 32 : i32
    %add3A_30 = arith.addi %mul3A_2, %add3A_29 : i32
    %run_scoped3A_31 = arith.constant 0 : i32
    "tpu.region"() ({
      %run_scoped3A_32 = tpu.sem_alloc : memref<!tpu.dma_semaphore, #tpu.memory_space<semaphore_mem>>
      %dma_start3A_33 = arith.constant 0 : i32
      %dma_start3A_34 = tpu.memref_slice %arg4[%run_scoped3A_31, %add3A_30, %dma_start3A_33] : memref<1x2048x768xf32, #tpu.memory_space<hbm>> -> memref<1x32x768xf32, #tpu.memory_space<hbm>>
      %dma_start3A_35 = tpu.memref_squeeze %dma_start3A_34 : memref<1x32x768xf32, #tpu.memory_space<hbm>> -> memref<32x768xf32, #tpu.memory_space<hbm>>
      %dma_start3A_36 = arith.constant 0 : i32
      %dma_start3A_37 = tpu.memref_slice %arg4[%run_scoped3A_31, %add3A_30, %dma_start3A_36] : memref<1x2048x768xf32, #tpu.memory_space<hbm>> -> memref<1x32x768xf32, #tpu.memory_space<hbm>>
      %dma_start3A_38 = tpu.memref_squeeze %dma_start3A_37 : memref<1x32x768xf32, #tpu.memory_space<hbm>> -> memref<32x768xf32, #tpu.memory_space<hbm>>
      tpu.enqueue_dma source(%arg7 : memref<32x768xf32, #tpu.memory_space<vmem>>) target(%dma_start3A_38 : memref<32x768xf32, #tpu.memory_space<hbm>>) target_semaphore(%run_scoped3A_32 : memref<!tpu.dma_semaphore, #tpu.memory_space<semaphore_mem>>)
      %dma_wait3A_39 = arith.constant 0 : i32
      %dma_wait3A_40 = tpu.memref_slice %arg4[%run_scoped3A_31, %add3A_30, %dma_wait3A_39] : memref<1x2048x768xf32, #tpu.memory_space<hbm>> -> memref<1x32x768xf32, #tpu.memory_space<hbm>>
      %dma_wait3A_41 = tpu.memref_squeeze %dma_wait3A_40 : memref<1x32x768xf32, #tpu.memory_space<hbm>> -> memref<32x768xf32, #tpu.memory_space<hbm>>
      %dma_wait3A_42 = arith.constant 0 : i32
      %dma_wait3A_43 = tpu.memref_slice %arg4[%run_scoped3A_31, %add3A_30, %dma_wait3A_42] : memref<1x2048x768xf32, #tpu.memory_space<hbm>> -> memref<1x32x768xf32, #tpu.memory_space<hbm>>
      %dma_wait3A_44 = tpu.memref_squeeze %dma_wait3A_43 : memref<1x32x768xf32, #tpu.memory_space<hbm>> -> memref<32x768xf32, #tpu.memory_space<hbm>>
      tpu.wait_dma2 semaphore(%run_scoped3A_32 : memref<!tpu.dma_semaphore, #tpu.memory_space<semaphore_mem>>) src(%arg7 : memref<32x768xf32, #tpu.memory_space<vmem>>) dst(%dma_wait3A_44 : memref<32x768xf32, #tpu.memory_space<hbm>>)
      tpu.yield
    }) : () -> ()
    return
  }
}

module attributes {stable_mosaic.version = 14 : i64} {
  func.func @_route_body(%arg0: memref<1x2048x768xf32, #tpu.memory_space<vmem>>, %arg1: memref<768x8xf32, #tpu.memory_space<vmem>>, %arg2: memref<1x8xf32, #tpu.memory_space<vmem>>, %arg3: memref<2048x1xi32, #tpu.memory_space<vmem>>, %arg4: memref<8x1xi32, #tpu.memory_space<vmem>>, %arg5: memref<8x1xi32, #tpu.memory_space<vmem>>) attributes {dimension_semantics = [], scalar_prefetch = 0 : i64, scratch_operands = 0 : i64, tpu.core_type = #tpu.core_type<tc>} {
    %get3A = arith.constant 0 : index
    %get3A_0 = arith.constant 0 : index
    %get3A_1 = arith.constant 0 : index
    %get3A_2 = vector.load %arg0[%get3A, %get3A_0, %get3A_1] : memref<1x2048x768xf32, #tpu.memory_space<vmem>>, vector<1x2048x768xf32>
    %get3A_3 = vector.shape_cast %get3A_2 : vector<1x2048x768xf32> to vector<2048x768xf32>
    %get3A_4 = arith.constant 0 : index
    %get3A_5 = arith.constant 0 : index
    %get3A_6 = vector.load %arg1[%get3A_4, %get3A_5] : memref<768x8xf32, #tpu.memory_space<vmem>>, vector<768x8xf32>
    %dot_general3A = arith.constant dense<0.000000e+00> : vector<2048x8xf32>
    %dot_general3A_7 = tpu.matmul %get3A_3, %get3A_6, %dot_general3A {dimension_numbers = #tpu.dot_dimension_numbers<[1], [0], [0], [1], [0, 0, 1, 1], [], []>, transpose_lhs_hint = false} : vector<2048x768xf32>, vector<768x8xf32>, vector<2048x8xf32> -> vector<2048x8xf32>
    %get3A_8 = arith.constant 0 : index
    %get3A_9 = arith.constant 0 : index
    %get3A_10 = vector.load %arg2[%get3A_8, %get3A_9] : memref<1x8xf32, #tpu.memory_space<vmem>>, vector<1x8xf32>
    %add3A = vector.broadcast %get3A_10 : vector<1x8xf32> to vector<2048x8xf32>
    %add3A_11 = arith.addf %dot_general3A_7, %add3A : vector<2048x8xf32>
    %iota3A = tpu.iota {dimensions = array<i32: 1>} : vector<2048x8xi32>
    %reduce_max3A = arith.constant dense<0xFF800000> : vector<2048xf32>
    %reduce_max3A_12 = vector.multi_reduction <maximumf>, %add3A_11, %reduce_max3A [1] : vector<2048x8xf32> to vector<2048xf32>
    %broadcast_in_dim3A = vector.shape_cast %reduce_max3A_12 : vector<2048xf32> to vector<2048x1xf32>
    %eq3A = vector.broadcast %broadcast_in_dim3A : vector<2048x1xf32> to vector<2048x8xf32>
    %eq3A_13 = arith.cmpf oeq, %add3A_11, %eq3A : vector<2048x8xf32>
    %jit3A = arith.constant 8 : i32
    %broadcast_in_dim3A_14 = vector.broadcast %jit3A : i32 to vector<2048x8xi32>
    %select_n3A = arith.select %eq3A_13, %iota3A, %broadcast_in_dim3A_14 : vector<2048x8xi1>, vector<2048x8xi32>
    %reduce_min3A = arith.constant dense<2147483647> : vector<2048xi32>
    %reduce_min3A_15 = vector.multi_reduction <minsi>, %select_n3A, %reduce_min3A [1] : vector<2048x8xi32> to vector<2048xi32>
    %broadcast_in_dim3A_16 = vector.shape_cast %reduce_min3A_15 : vector<2048xi32> to vector<2048x1xi32>
    %eq3A_17 = vector.broadcast %broadcast_in_dim3A_16 : vector<2048x1xi32> to vector<2048x8xi32>
    %eq3A_18 = arith.cmpi eq, %iota3A, %eq3A_17 : vector<2048x8xi32>
    %jit3A_19 = arith.constant 0xFF800000 : f32
    %broadcast_in_dim3A_20 = vector.broadcast %jit3A_19 : f32 to vector<2048x8xf32>
    %select_n3A_21 = arith.select %eq3A_18, %broadcast_in_dim3A_20, %add3A_11 : vector<2048x8xi1>, vector<2048x8xf32>
    %reduce_max3A_22 = arith.constant dense<0xFF800000> : vector<2048xf32>
    %reduce_max3A_23 = vector.multi_reduction <maximumf>, %select_n3A_21, %reduce_max3A_22 [1] : vector<2048x8xf32> to vector<2048xf32>
    %broadcast_in_dim3A_24 = vector.shape_cast %reduce_max3A_23 : vector<2048xf32> to vector<2048x1xf32>
    %eq3A_25 = vector.broadcast %broadcast_in_dim3A_24 : vector<2048x1xf32> to vector<2048x8xf32>
    %eq3A_26 = arith.cmpf oeq, %select_n3A_21, %eq3A_25 : vector<2048x8xf32>
    %jit3A_27 = arith.constant 8 : i32
    %broadcast_in_dim3A_28 = vector.broadcast %jit3A_27 : i32 to vector<2048x8xi32>
    %select_n3A_29 = arith.select %eq3A_26, %iota3A, %broadcast_in_dim3A_28 : vector<2048x8xi1>, vector<2048x8xi32>
    %reduce_min3A_30 = arith.constant dense<2147483647> : vector<2048xi32>
    %reduce_min3A_31 = vector.multi_reduction <minsi>, %select_n3A_29, %reduce_min3A_30 [1] : vector<2048x8xi32> to vector<2048xi32>
    %broadcast_in_dim3A_32 = vector.shape_cast %reduce_min3A_31 : vector<2048xi32> to vector<2048x1xi32>
    %max3A = arith.maxsi %broadcast_in_dim3A_16, %broadcast_in_dim3A_32 : vector<2048x1xi32>
    %eq3A_33 = vector.broadcast %max3A : vector<2048x1xi32> to vector<2048x8xi32>
    %eq3A_34 = arith.cmpi eq, %iota3A, %eq3A_33 : vector<2048x8xi32>
    %convert_element_type3A = arith.extui %eq3A_34 : vector<2048x8xi1> to vector<2048x8xi32>
    %convert_element_type3A_35 = arith.sitofp %convert_element_type3A : vector<2048x8xi32> to vector<2048x8xf32>
    %iota3A_36 = tpu.iota {dimensions = array<i32: 0>} : vector<2048x2048xi32>
    %iota3A_37 = tpu.iota {dimensions = array<i32: 1>} : vector<2048x2048xi32>
    %lt3A = arith.cmpi slt, %iota3A_37, %iota3A_36 : vector<2048x2048xi32>
    %convert_element_type3A_38 = arith.extui %lt3A : vector<2048x2048xi1> to vector<2048x2048xi32>
    %convert_element_type3A_39 = arith.sitofp %convert_element_type3A_38 : vector<2048x2048xi32> to vector<2048x2048xf32>
    %convert_element_type3A_40 = arith.truncf %convert_element_type3A_39 : vector<2048x2048xf32> to vector<2048x2048xbf16>
    %convert_element_type3A_41 = arith.truncf %convert_element_type3A_35 : vector<2048x8xf32> to vector<2048x8xbf16>
    %dot_general3A_42 = arith.constant dense<0.000000e+00> : vector<2048x8xf32>
    %dot_general3A_43 = tpu.matmul %convert_element_type3A_40, %convert_element_type3A_41, %dot_general3A_42 {dimension_numbers = #tpu.dot_dimension_numbers<[1], [0], [0], [1], [0, 0, 1, 1], [], []>, transpose_lhs_hint = false} : vector<2048x2048xbf16>, vector<2048x8xbf16>, vector<2048x8xf32> -> vector<2048x8xf32>
    %reduce_sum3A = arith.constant dense<0.000000e+00> : vector<8xf32>
    %reduce_sum3A_44 = vector.multi_reduction <add>, %convert_element_type3A_35, %reduce_sum3A [0] : vector<2048x8xf32> to vector<8xf32>
    %broadcast_in_dim3A_45 = vector.shape_cast %reduce_sum3A_44 : vector<8xf32> to vector<1x8xf32>
    %convert_element_type3A_46 = arith.fptosi %broadcast_in_dim3A_45 : vector<1x8xf32> to vector<1x8xi32>
    %add3A_47 = arith.constant 127 : i32
    %add3A_48 = vector.broadcast %add3A_47 : i32 to vector<1x8xi32>
    %add3A_49 = arith.addi %convert_element_type3A_46, %add3A_48 : vector<1x8xi32>
    %jit3A_50 = arith.constant 128 : i32
    %div3A = vector.broadcast %jit3A_50 : i32 to vector<1x8xi32>
    %div3A_51 = arith.divsi %add3A_49, %div3A : vector<1x8xi32>
    %sign3A = arith.constant 0 : i32
    %sign3A_52 = vector.broadcast %sign3A : i32 to vector<1x8xi32>
    %sign3A_53 = arith.cmpi sgt, %add3A_49, %sign3A_52 : vector<1x8xi32>
    %sign3A_54 = arith.extui %sign3A_53 : vector<1x8xi1> to vector<1x8xi32>
    %sign3A_55 = arith.constant 0 : i32
    %sign3A_56 = vector.broadcast %sign3A_55 : i32 to vector<1x8xi32>
    %sign3A_57 = arith.cmpi slt, %add3A_49, %sign3A_56 : vector<1x8xi32>
    %sign3A_58 = arith.extui %sign3A_57 : vector<1x8xi1> to vector<1x8xi32>
    %sign3A_59 = arith.subi %sign3A_54, %sign3A_58 : vector<1x8xi32>
    %sign3A_60 = arith.constant 0 : i32
    %sign3A_61 = arith.cmpi sgt, %jit3A_50, %sign3A_60 : i32
    %sign3A_62 = arith.extui %sign3A_61 : i1 to i32
    %sign3A_63 = arith.constant 0 : i32
    %sign3A_64 = arith.cmpi slt, %jit3A_50, %sign3A_63 : i32
    %sign3A_65 = arith.extui %sign3A_64 : i1 to i32
    %sign3A_66 = arith.subi %sign3A_62, %sign3A_65 : i32
    %ne3A = vector.broadcast %sign3A_66 : i32 to vector<1x8xi32>
    %ne3A_67 = arith.cmpi ne, %sign3A_59, %ne3A : vector<1x8xi32>
    %rem3A = vector.broadcast %jit3A_50 : i32 to vector<1x8xi32>
    %rem3A_68 = arith.remsi %add3A_49, %rem3A : vector<1x8xi32>
    %ne3A_69 = arith.constant 0 : i32
    %ne3A_70 = vector.broadcast %ne3A_69 : i32 to vector<1x8xi32>
    %ne3A_71 = arith.cmpi ne, %rem3A_68, %ne3A_70 : vector<1x8xi32>
    %and3A = arith.andi %ne3A_67, %ne3A_71 : vector<1x8xi1>
    %sub3A = arith.constant 1 : i32
    %sub3A_72 = vector.broadcast %sub3A : i32 to vector<1x8xi32>
    %sub3A_73 = arith.subi %div3A_51, %sub3A_72 : vector<1x8xi32>
    %select_n3A_74 = arith.select %and3A, %sub3A_73, %div3A_51 : vector<1x8xi1>, vector<1x8xi32>
    %mul3A = arith.constant 128 : i32
    %mul3A_75 = vector.broadcast %mul3A : i32 to vector<1x8xi32>
    %mul3A_76 = arith.muli %select_n3A_74, %mul3A_75 : vector<1x8xi32>
    %iota3A_77 = tpu.iota {dimensions = array<i32: 0>} : vector<8x8xi32>
    %iota3A_78 = tpu.iota {dimensions = array<i32: 1>} : vector<8x8xi32>
    %le3A = arith.cmpi sle, %iota3A_77, %iota3A_78 : vector<8x8xi32>
    %convert_element_type3A_79 = arith.extui %le3A : vector<8x8xi1> to vector<8x8xi32>
    %convert_element_type3A_80 = arith.sitofp %convert_element_type3A_79 : vector<8x8xi32> to vector<8x8xf32>
    %convert_element_type3A_81 = arith.sitofp %mul3A_76 : vector<1x8xi32> to vector<1x8xf32>
    %dot_general3A_82 = arith.constant dense<0.000000e+00> : vector<1x8xf32>
    %dot_general3A_83 = tpu.matmul %convert_element_type3A_81, %convert_element_type3A_80, %dot_general3A_82 {dimension_numbers = #tpu.dot_dimension_numbers<[1], [0], [0], [1], [0, 0, 1, 1], [], []>, transpose_lhs_hint = false} : vector<1x8xf32>, vector<8x8xf32>, vector<1x8xf32> -> vector<1x8xf32>
    %convert_element_type3A_84 = arith.fptosi %dot_general3A_83 : vector<1x8xf32> to vector<1x8xi32>
    %sub3A_85 = arith.subi %convert_element_type3A_84, %mul3A_76 : vector<1x8xi32>
    %mul3A_86 = arith.mulf %dot_general3A_43, %convert_element_type3A_35 : vector<2048x8xf32>
    %reduce_sum3A_87 = arith.constant dense<0.000000e+00> : vector<2048xf32>
    %reduce_sum3A_88 = vector.multi_reduction <add>, %mul3A_86, %reduce_sum3A_87 [1] : vector<2048x8xf32> to vector<2048xf32>
    %broadcast_in_dim3A_89 = vector.shape_cast %reduce_sum3A_88 : vector<2048xf32> to vector<2048x1xf32>
    %convert_element_type3A_90 = arith.sitofp %sub3A_85 : vector<1x8xi32> to vector<1x8xf32>
    %mul3A_91 = vector.broadcast %convert_element_type3A_90 : vector<1x8xf32> to vector<2048x8xf32>
    %mul3A_92 = arith.mulf %mul3A_91, %convert_element_type3A_35 : vector<2048x8xf32>
    %reduce_sum3A_93 = arith.constant dense<0.000000e+00> : vector<2048xf32>
    %reduce_sum3A_94 = vector.multi_reduction <add>, %mul3A_92, %reduce_sum3A_93 [1] : vector<2048x8xf32> to vector<2048xf32>
    %broadcast_in_dim3A_95 = vector.shape_cast %reduce_sum3A_94 : vector<2048xf32> to vector<2048x1xf32>
    %add3A_96 = arith.addf %broadcast_in_dim3A_95, %broadcast_in_dim3A_89 : vector<2048x1xf32>
    %convert_element_type3A_97 = arith.fptosi %add3A_96 : vector<2048x1xf32> to vector<2048x1xi32>
    %swap3A = arith.constant 0 : index
    %swap3A_98 = arith.constant 0 : index
    %swap3A_99 = vector.load %arg3[%swap3A, %swap3A_98] : memref<2048x1xi32, #tpu.memory_space<vmem>>, vector<2048x1xi32>
    tpu.vector_store %arg3[%swap3A, %swap3A_98], %convert_element_type3A_97 {strides = array<i32>} : memref<2048x1xi32, #tpu.memory_space<vmem>>, vector<2048x1xi32>,
    %reshape3A = vector.shape_cast %sub3A_85 : vector<1x8xi32> to vector<8x1xi32>
    %swap3A_100 = arith.constant 0 : index
    %swap3A_101 = arith.constant 0 : index
    %swap3A_102 = vector.load %arg4[%swap3A_100, %swap3A_101] : memref<8x1xi32, #tpu.memory_space<vmem>>, vector<8x1xi32>
    tpu.vector_store %arg4[%swap3A_100, %swap3A_101], %reshape3A {strides = array<i32>} : memref<8x1xi32, #tpu.memory_space<vmem>>, vector<8x1xi32>,
    %jit3A_103 = arith.constant 128 : i32
    %div3A_104 = vector.broadcast %jit3A_103 : i32 to vector<1x8xi32>
    %div3A_105 = arith.divsi %mul3A_76, %div3A_104 : vector<1x8xi32>
    %sign3A_106 = arith.constant 0 : i32
    %sign3A_107 = vector.broadcast %sign3A_106 : i32 to vector<1x8xi32>
    %sign3A_108 = arith.cmpi sgt, %mul3A_76, %sign3A_107 : vector<1x8xi32>
    %sign3A_109 = arith.extui %sign3A_108 : vector<1x8xi1> to vector<1x8xi32>
    %sign3A_110 = arith.constant 0 : i32
    %sign3A_111 = vector.broadcast %sign3A_110 : i32 to vector<1x8xi32>
    %sign3A_112 = arith.cmpi slt, %mul3A_76, %sign3A_111 : vector<1x8xi32>
    %sign3A_113 = arith.extui %sign3A_112 : vector<1x8xi1> to vector<1x8xi32>
    %sign3A_114 = arith.subi %sign3A_109, %sign3A_113 : vector<1x8xi32>
    %sign3A_115 = arith.constant 0 : i32
    %sign3A_116 = arith.cmpi sgt, %jit3A_103, %sign3A_115 : i32
    %sign3A_117 = arith.extui %sign3A_116 : i1 to i32
    %sign3A_118 = arith.constant 0 : i32
    %sign3A_119 = arith.cmpi slt, %jit3A_103, %sign3A_118 : i32
    %sign3A_120 = arith.extui %sign3A_119 : i1 to i32
    %sign3A_121 = arith.subi %sign3A_117, %sign3A_120 : i32
    %ne3A_122 = vector.broadcast %sign3A_121 : i32 to vector<1x8xi32>
    %ne3A_123 = arith.cmpi ne, %sign3A_114, %ne3A_122 : vector<1x8xi32>
    %rem3A_124 = vector.broadcast %jit3A_103 : i32 to vector<1x8xi32>
    %rem3A_125 = arith.remsi %mul3A_76, %rem3A_124 : vector<1x8xi32>
    %ne3A_126 = arith.constant 0 : i32
    %ne3A_127 = vector.broadcast %ne3A_126 : i32 to vector<1x8xi32>
    %ne3A_128 = arith.cmpi ne, %rem3A_125, %ne3A_127 : vector<1x8xi32>
    %and3A_129 = arith.andi %ne3A_123, %ne3A_128 : vector<1x8xi1>
    %sub3A_130 = arith.constant 1 : i32
    %sub3A_131 = vector.broadcast %sub3A_130 : i32 to vector<1x8xi32>
    %sub3A_132 = arith.subi %div3A_105, %sub3A_131 : vector<1x8xi32>
    %select_n3A_133 = arith.select %and3A_129, %sub3A_132, %div3A_105 : vector<1x8xi1>, vector<1x8xi32>
    %reshape3A_134 = vector.shape_cast %select_n3A_133 : vector<1x8xi32> to vector<8x1xi32>
    %swap3A_135 = arith.constant 0 : index
    %swap3A_136 = arith.constant 0 : index
    %swap3A_137 = vector.load %arg5[%swap3A_135, %swap3A_136] : memref<8x1xi32, #tpu.memory_space<vmem>>, vector<8x1xi32>
    tpu.vector_store %arg5[%swap3A_135, %swap3A_136], %reshape3A_134 {strides = array<i32>} : memref<8x1xi32, #tpu.memory_space<vmem>>, vector<8x1xi32>,
    return
  }
}

module attributes {stable_mosaic.version = 14 : i64} {
  func.func @_ffn_body(%arg0: i32, %arg1: i32, %arg2: memref<8xi32, #tpu.memory_space<smem>>, %arg3: memref<8xi32, #tpu.memory_space<smem>>, %arg4: memref<3072x768xf32, #tpu.memory_space<vmem>>, %arg5: memref<1x768x1536xf32, #tpu.memory_space<vmem>>, %arg6: memref<1x1x1536xf32, #tpu.memory_space<vmem>>, %arg7: memref<1x1536x768xf32, #tpu.memory_space<vmem>>, %arg8: memref<1x1x768xf32, #tpu.memory_space<vmem>>, %arg9: memref<3072x768xf32, #tpu.memory_space<vmem>>) attributes {dimension_semantics = [#tpu.dimension_semantics<arbitrary>, #tpu.dimension_semantics<arbitrary>], iteration_bounds = array<i64: 8, 2>, scalar_prefetch = 2 : i64, scratch_operands = 0 : i64, tpu.core_type = #tpu.core_type<tc>, window_params = [{pipeline_mode = #tpu.pipeline_mode<synchronous>, transform_indices = @transform_0, window_bounds = array<i64: 3072, 768>}, {transform_indices = @transform_1, window_bounds = array<i64: 1, 768, 1536>}, {transform_indices = @transform_2, window_bounds = array<i64: 1, 1, 1536>}, {transform_indices = @transform_3, window_bounds = array<i64: 1, 1536, 768>}, {transform_indices = @transform_4, window_bounds = array<i64: 1, 1, 768>}, {pipeline_mode = #tpu.pipeline_mode<synchronous>, transform_indices = @transform_5, window_bounds = array<i64: 3072, 768>}]} {
    %get3A = arith.index_cast %arg0 : i32 to index
    %get3A_0 = memref.load %arg2[%get3A] : memref<8xi32, #tpu.memory_space<smem>>
    %multiple_of3A = tpu.assume_multiple %get3A_0, 128 : i32
    %get3A_1 = arith.index_cast %arg0 : i32 to index
    %get3A_2 = memref.load %arg3[%get3A_1] : memref<8xi32, #tpu.memory_space<smem>>
    %while3A = arith.constant 0 : i32
    %while3A_3 = arith.constant 0 : i32
    %while3A_4 = arith.subi %get3A_2, %while3A : i32
    %while3A_5 = arith.addi %while3A, %while3A_4 : i32
    %while3A_6 = arith.constant 1 : i32
    %while3A_7 = arith.divsi %while3A_4, %while3A_6 : i32
    %while3A_8 = arith.muli %while3A_7, %while3A_6 : i32
    %while3A_9 = arith.addi %while3A, %while3A_8 : i32
    %while3A_10 = arith.constant 1 : i32
    %while3A_11 = scf.for %while3A_14 = %while3A to %while3A_9 step %while3A_10 iter_args(%while3A_15 = %while3A_3) -> (i32)  : i32 {
      %mul3A = arith.constant 128 : i32
      %mul3A_16 = arith.muli %while3A_14, %mul3A : i32
      %add3A = arith.addi %multiple_of3A, %mul3A_16 : i32
      %multiple_of3A_17 = tpu.assume_multiple %add3A, 128 : i32
      %get3A_18 = arith.index_cast %multiple_of3A_17 : i32 to index
      %get3A_19 = arith.constant 0 : index
      %get3A_20 = vector.load %arg4[%get3A_18, %get3A_19] : memref<3072x768xf32, #tpu.memory_space<vmem>>, vector<128x768xf32>
      %get3A_21 = arith.constant 0 : index
      %get3A_22 = arith.constant 0 : index
      %get3A_23 = arith.constant 0 : index
      %get3A_24 = vector.load %arg5[%get3A_21, %get3A_22, %get3A_23] : memref<1x768x1536xf32, #tpu.memory_space<vmem>>, vector<1x768x1536xf32>
      %get3A_25 = vector.shape_cast %get3A_24 : vector<1x768x1536xf32> to vector<768x1536xf32>
      %dot_general3A = arith.constant dense<0.000000e+00> : vector<128x1536xf32>
      %dot_general3A_26 = tpu.matmul %get3A_20, %get3A_25, %dot_general3A {dimension_numbers = #tpu.dot_dimension_numbers<[1], [0], [0], [1], [0, 0, 1, 1], [], []>, transpose_lhs_hint = false} : vector<128x768xf32>, vector<768x1536xf32>, vector<128x1536xf32> -> vector<128x1536xf32>
      %get3A_27 = arith.constant 0 : index
      %get3A_28 = arith.constant 0 : index
      %get3A_29 = arith.constant 0 : index
      %get3A_30 = vector.load %arg6[%get3A_27, %get3A_28, %get3A_29] : memref<1x1x1536xf32, #tpu.memory_space<vmem>>, vector<1x1x1536xf32>
      %get3A_31 = vector.shape_cast %get3A_30 : vector<1x1x1536xf32> to vector<1x1536xf32>
      %add3A_32 = vector.broadcast %get3A_31 : vector<1x1536xf32> to vector<128x1536xf32>
      %add3A_33 = arith.addf %dot_general3A_26, %add3A_32 : vector<128x1536xf32>
      %mul3A_34 = arith.constant 5.000000e-01 : f32
      %mul3A_35 = vector.broadcast %mul3A_34 : f32 to vector<128x1536xf32>
      %mul3A_36 = arith.mulf %mul3A_35, %add3A_33 : vector<128x1536xf32>
      %mul3A_37 = arith.constant 0.707106769 : f32
      %mul3A_38 = vector.broadcast %mul3A_37 : f32 to vector<128x1536xf32>
      %mul3A_39 = arith.mulf %add3A_33, %mul3A_38 : vector<128x1536xf32>
      %erf3A = math.erf %mul3A_39 : vector<128x1536xf32>
      %add3A_40 = arith.constant 1.000000e+00 : f32
      %add3A_41 = vector.broadcast %add3A_40 : f32 to vector<128x1536xf32>
      %add3A_42 = arith.addf %add3A_41, %erf3A : vector<128x1536xf32>
      %mul3A_43 = arith.mulf %mul3A_36, %add3A_42 : vector<128x1536xf32>
      %get3A_44 = arith.constant 0 : index
      %get3A_45 = arith.constant 0 : index
      %get3A_46 = arith.constant 0 : index
      %get3A_47 = vector.load %arg7[%get3A_44, %get3A_45, %get3A_46] : memref<1x1536x768xf32, #tpu.memory_space<vmem>>, vector<1x1536x768xf32>
      %get3A_48 = vector.shape_cast %get3A_47 : vector<1x1536x768xf32> to vector<1536x768xf32>
      %dot_general3A_49 = arith.constant dense<0.000000e+00> : vector<128x768xf32>
      %dot_general3A_50 = tpu.matmul %mul3A_43, %get3A_48, %dot_general3A_49 {dimension_numbers = #tpu.dot_dimension_numbers<[1], [0], [0], [1], [0, 0, 1, 1], [], []>, transpose_lhs_hint = false} : vector<128x1536xf32>, vector<1536x768xf32>, vector<128x768xf32> -> vector<128x768xf32>
      %mul3A_51 = arith.constant 2.000000e+00 : f32
      %mul3A_52 = vector.broadcast %mul3A_51 : f32 to vector<128x768xf32>
      %mul3A_53 = arith.mulf %mul3A_52, %dot_general3A_50 : vector<128x768xf32>
      %eq3A = arith.constant 0 : i32
      %eq3A_54 = arith.cmpi eq, %arg1, %eq3A : i32
      %convert_element_type3A = arith.extui %eq3A_54 : i1 to i32
      %cond3A = arith.constant 0 : i32
      %cond3A_55 = arith.cmpi ne, %convert_element_type3A, %cond3A : i32
      scf.if %cond3A_55 {
        %get3A_61 = arith.constant 0 : index
        %get3A_62 = arith.constant 0 : index
        %get3A_63 = arith.constant 0 : index
        %get3A_64 = vector.load %arg8[%get3A_61, %get3A_62, %get3A_63] : memref<1x1x768xf32, #tpu.memory_space<vmem>>, vector<1x1x768xf32>
        %get3A_65 = vector.shape_cast %get3A_64 : vector<1x1x768xf32> to vector<1x768xf32>
        %mul3A_66 = arith.constant 2.000000e+00 : f32
        %mul3A_67 = vector.broadcast %mul3A_66 : f32 to vector<1x768xf32>
        %mul3A_68 = arith.mulf %mul3A_67, %get3A_65 : vector<1x768xf32>
        %add3A_69 = vector.broadcast %mul3A_68 : vector<1x768xf32> to vector<128x768xf32>
        %add3A_70 = arith.addf %mul3A_53, %add3A_69 : vector<128x768xf32>
        %swap3A = arith.index_cast %multiple_of3A_17 : i32 to index
        %swap3A_71 = arith.constant 0 : index
        %swap3A_72 = vector.load %arg9[%swap3A, %swap3A_71] : memref<3072x768xf32, #tpu.memory_space<vmem>>, vector<128x768xf32>
        tpu.vector_store %arg9[%swap3A, %swap3A_71], %add3A_70 {strides = array<i32>} : memref<3072x768xf32, #tpu.memory_space<vmem>>, vector<128x768xf32>,
      } else {
      }
      %gt3A = arith.constant 0 : i32
      %gt3A_56 = arith.cmpi sgt, %arg1, %gt3A : i32
      %convert_element_type3A_57 = arith.extui %gt3A_56 : i1 to i32
      %cond3A_58 = arith.constant 0 : i32
      %cond3A_59 = arith.cmpi ne, %convert_element_type3A_57, %cond3A_58 : i32
      scf.if %cond3A_59 {
        %get3A_61 = arith.index_cast %multiple_of3A_17 : i32 to index
        %get3A_62 = arith.constant 0 : index
        %get3A_63 = vector.load %arg9[%get3A_61, %get3A_62] : memref<3072x768xf32, #tpu.memory_space<vmem>>, vector<128x768xf32>
        %add3A_64 = arith.addf %get3A_63, %mul3A_53 : vector<128x768xf32>
        %swap3A = arith.index_cast %multiple_of3A_17 : i32 to index
        %swap3A_65 = arith.constant 0 : index
        %swap3A_66 = vector.load %arg9[%swap3A, %swap3A_65] : memref<3072x768xf32, #tpu.memory_space<vmem>>, vector<128x768xf32>
        tpu.vector_store %arg9[%swap3A, %swap3A_65], %add3A_64 {strides = array<i32>} : memref<3072x768xf32, #tpu.memory_space<vmem>>, vector<128x768xf32>,
      } else {
      }
      %while3A_60 = arith.constant 0 : i32
      scf.yield %while3A_60 : i32
    }
    %while3A_12 = arith.constant 1 : i32
    %while3A_13 = scf.for %while3A_14 = %while3A_9 to %while3A_5 step %while3A_12 iter_args(%while3A_15 = %while3A_11) -> (i32)  : i32 {
      %mul3A = arith.constant 128 : i32
      %mul3A_16 = arith.muli %while3A_14, %mul3A : i32
      %add3A = arith.addi %multiple_of3A, %mul3A_16 : i32
      %multiple_of3A_17 = tpu.assume_multiple %add3A, 128 : i32
      %get3A_18 = arith.index_cast %multiple_of3A_17 : i32 to index
      %get3A_19 = arith.constant 0 : index
      %get3A_20 = vector.load %arg4[%get3A_18, %get3A_19] : memref<3072x768xf32, #tpu.memory_space<vmem>>, vector<128x768xf32>
      %get3A_21 = arith.constant 0 : index
      %get3A_22 = arith.constant 0 : index
      %get3A_23 = arith.constant 0 : index
      %get3A_24 = vector.load %arg5[%get3A_21, %get3A_22, %get3A_23] : memref<1x768x1536xf32, #tpu.memory_space<vmem>>, vector<1x768x1536xf32>
      %get3A_25 = vector.shape_cast %get3A_24 : vector<1x768x1536xf32> to vector<768x1536xf32>
      %dot_general3A = arith.constant dense<0.000000e+00> : vector<128x1536xf32>
      %dot_general3A_26 = tpu.matmul %get3A_20, %get3A_25, %dot_general3A {dimension_numbers = #tpu.dot_dimension_numbers<[1], [0], [0], [1], [0, 0, 1, 1], [], []>, transpose_lhs_hint = false} : vector<128x768xf32>, vector<768x1536xf32>, vector<128x1536xf32> -> vector<128x1536xf32>
      %get3A_27 = arith.constant 0 : index
      %get3A_28 = arith.constant 0 : index
      %get3A_29 = arith.constant 0 : index
      %get3A_30 = vector.load %arg6[%get3A_27, %get3A_28, %get3A_29] : memref<1x1x1536xf32, #tpu.memory_space<vmem>>, vector<1x1x1536xf32>
      %get3A_31 = vector.shape_cast %get3A_30 : vector<1x1x1536xf32> to vector<1x1536xf32>
      %add3A_32 = vector.broadcast %get3A_31 : vector<1x1536xf32> to vector<128x1536xf32>
      %add3A_33 = arith.addf %dot_general3A_26, %add3A_32 : vector<128x1536xf32>
      %mul3A_34 = arith.constant 5.000000e-01 : f32
      %mul3A_35 = vector.broadcast %mul3A_34 : f32 to vector<128x1536xf32>
      %mul3A_36 = arith.mulf %mul3A_35, %add3A_33 : vector<128x1536xf32>
      %mul3A_37 = arith.constant 0.707106769 : f32
      %mul3A_38 = vector.broadcast %mul3A_37 : f32 to vector<128x1536xf32>
      %mul3A_39 = arith.mulf %add3A_33, %mul3A_38 : vector<128x1536xf32>
      %erf3A = math.erf %mul3A_39 : vector<128x1536xf32>
      %add3A_40 = arith.constant 1.000000e+00 : f32
      %add3A_41 = vector.broadcast %add3A_40 : f32 to vector<128x1536xf32>
      %add3A_42 = arith.addf %add3A_41, %erf3A : vector<128x1536xf32>
      %mul3A_43 = arith.mulf %mul3A_36, %add3A_42 : vector<128x1536xf32>
      %get3A_44 = arith.constant 0 : index
      %get3A_45 = arith.constant 0 : index
      %get3A_46 = arith.constant 0 : index
      %get3A_47 = vector.load %arg7[%get3A_44, %get3A_45, %get3A_46] : memref<1x1536x768xf32, #tpu.memory_space<vmem>>, vector<1x1536x768xf32>
      %get3A_48 = vector.shape_cast %get3A_47 : vector<1x1536x768xf32> to vector<1536x768xf32>
      %dot_general3A_49 = arith.constant dense<0.000000e+00> : vector<128x768xf32>
      %dot_general3A_50 = tpu.matmul %mul3A_43, %get3A_48, %dot_general3A_49 {dimension_numbers = #tpu.dot_dimension_numbers<[1], [0], [0], [1], [0, 0, 1, 1], [], []>, transpose_lhs_hint = false} : vector<128x1536xf32>, vector<1536x768xf32>, vector<128x768xf32> -> vector<128x768xf32>
      %mul3A_51 = arith.constant 2.000000e+00 : f32
      %mul3A_52 = vector.broadcast %mul3A_51 : f32 to vector<128x768xf32>
      %mul3A_53 = arith.mulf %mul3A_52, %dot_general3A_50 : vector<128x768xf32>
      %eq3A = arith.constant 0 : i32
      %eq3A_54 = arith.cmpi eq, %arg1, %eq3A : i32
      %convert_element_type3A = arith.extui %eq3A_54 : i1 to i32
      %cond3A = arith.constant 0 : i32
      %cond3A_55 = arith.cmpi ne, %convert_element_type3A, %cond3A : i32
      scf.if %cond3A_55 {
        %get3A_61 = arith.constant 0 : index
        %get3A_62 = arith.constant 0 : index
        %get3A_63 = arith.constant 0 : index
        %get3A_64 = vector.load %arg8[%get3A_61, %get3A_62, %get3A_63] : memref<1x1x768xf32, #tpu.memory_space<vmem>>, vector<1x1x768xf32>
        %get3A_65 = vector.shape_cast %get3A_64 : vector<1x1x768xf32> to vector<1x768xf32>
        %mul3A_66 = arith.constant 2.000000e+00 : f32
        %mul3A_67 = vector.broadcast %mul3A_66 : f32 to vector<1x768xf32>
        %mul3A_68 = arith.mulf %mul3A_67, %get3A_65 : vector<1x768xf32>
        %add3A_69 = vector.broadcast %mul3A_68 : vector<1x768xf32> to vector<128x768xf32>
        %add3A_70 = arith.addf %mul3A_53, %add3A_69 : vector<128x768xf32>
        %swap3A = arith.index_cast %multiple_of3A_17 : i32 to index
        %swap3A_71 = arith.constant 0 : index
        %swap3A_72 = vector.load %arg9[%swap3A, %swap3A_71] : memref<3072x768xf32, #tpu.memory_space<vmem>>, vector<128x768xf32>
        tpu.vector_store %arg9[%swap3A, %swap3A_71], %add3A_70 {strides = array<i32>} : memref<3072x768xf32, #tpu.memory_space<vmem>>, vector<128x768xf32>,
      } else {
      }
      %gt3A = arith.constant 0 : i32
      %gt3A_56 = arith.cmpi sgt, %arg1, %gt3A : i32
      %convert_element_type3A_57 = arith.extui %gt3A_56 : i1 to i32
      %cond3A_58 = arith.constant 0 : i32
      %cond3A_59 = arith.cmpi ne, %convert_element_type3A_57, %cond3A_58 : i32
      scf.if %cond3A_59 {
        %get3A_61 = arith.index_cast %multiple_of3A_17 : i32 to index
        %get3A_62 = arith.constant 0 : index
        %get3A_63 = vector.load %arg9[%get3A_61, %get3A_62] : memref<3072x768xf32, #tpu.memory_space<vmem>>, vector<128x768xf32>
        %add3A_64 = arith.addf %get3A_63, %mul3A_53 : vector<128x768xf32>
        %swap3A = arith.index_cast %multiple_of3A_17 : i32 to index
        %swap3A_65 = arith.constant 0 : index
        %swap3A_66 = vector.load %arg9[%swap3A, %swap3A_65] : memref<3072x768xf32, #tpu.memory_space<vmem>>, vector<128x768xf32>
        tpu.vector_store %arg9[%swap3A, %swap3A_65], %add3A_64 {strides = array<i32>} : memref<3072x768xf32, #tpu.memory_space<vmem>>, vector<128x768xf32>,
      } else {
      }
      %while3A_60 = arith.constant 0 : i32
      scf.yield %while3A_60 : i32
    }
    return
  }
  func.func @transform_0(%arg0: i32, %arg1: i32, %arg2: memref<8xi32, #tpu.memory_space<smem>>, %arg3: memref<8xi32, #tpu.memory_space<smem>>) -> (i32, i32) {
    %c0_i32 = arith.constant 0 : i32
    %c0_i32_0 = arith.constant 0 : i32
    %c0_i32_1 = arith.constant 0 : i32
    return %c0_i32, %c0_i32_0 : i32, i32
  }
  func.func @transform_1(%arg0: i32, %arg1: i32, %arg2: memref<8xi32, #tpu.memory_space<smem>>, %arg3: memref<8xi32, #tpu.memory_space<smem>>) -> (i32, i32, i32) {
    %c0_i32 = arith.constant 0 : i32
    %c0_i32_0 = arith.constant 0 : i32
    return %arg0, %c0_i32, %arg1 : i32, i32, i32
  }
  func.func @transform_2(%arg0: i32, %arg1: i32, %arg2: memref<8xi32, #tpu.memory_space<smem>>, %arg3: memref<8xi32, #tpu.memory_space<smem>>) -> (i32, i32, i32) {
    %c0_i32 = arith.constant 0 : i32
    %c0_i32_0 = arith.constant 0 : i32
    return %arg0, %c0_i32, %arg1 : i32, i32, i32
  }
  func.func @transform_3(%arg0: i32, %arg1: i32, %arg2: memref<8xi32, #tpu.memory_space<smem>>, %arg3: memref<8xi32, #tpu.memory_space<smem>>) -> (i32, i32, i32) {
    %c0_i32 = arith.constant 0 : i32
    %c0_i32_0 = arith.constant 0 : i32
    return %arg0, %arg1, %c0_i32 : i32, i32, i32
  }
  func.func @transform_4(%arg0: i32, %arg1: i32, %arg2: memref<8xi32, #tpu.memory_space<smem>>, %arg3: memref<8xi32, #tpu.memory_space<smem>>) -> (i32, i32, i32) {
    %c0_i32 = arith.constant 0 : i32
    %c0_i32_0 = arith.constant 0 : i32
    %c0_i32_1 = arith.constant 0 : i32
    return %arg0, %c0_i32, %c0_i32_0 : i32, i32, i32
  }
  func.func @transform_5(%arg0: i32, %arg1: i32, %arg2: memref<8xi32, #tpu.memory_space<smem>>, %arg3: memref<8xi32, #tpu.memory_space<smem>>) -> (i32, i32) {
    %c0_i32 = arith.constant 0 : i32
    %c0_i32_0 = arith.constant 0 : i32
    %c0_i32_1 = arith.constant 0 : i32
    return %c0_i32, %c0_i32_0 : i32, i32
  }
}

</mosaic_0001>

<sc_bundles>
// kernel: kernel.6.cloned.1.call-start
scs
__scs_entry_jumppad:
0x0: {  	(pc) =	sbr.rel $0x88, $3  }
0x1: {  	(tag) =	ssettag $0x0;
	lr =	simm.s32 $0x1  }
0x2: {  	[smem:$0x3F9A] =	sst lr;
	_ =	strace $0xD0000000  }
0x3: {  	_ = 	snop  }
0x4: {  	_ = 	snop  }
0x5: {  	_ = 	snop  }
0x6: {  	_ = 	snop  }
0x7: {  	_ = 	snop  }
__scs_overlays_trampoline_lowered:
0x8: {  	[smem:$0x3FA9] =	sst s0  }
0x9: {  	[smem:$0x3FAA] =	sst s1  }
0xa: {  	[smem:$0x3FAB] =	sst s2  }
0xb: {  	[smem:$0x3FAC] =	sst s3  }
0xc: {  	[smem:$0x3FAD] =	sst s4  }
0xd: {  	[smem:$0x3FAE] =	sst s5  }
0xe: {  	[smem:$0x3FAF] =	sst s6  }
0xf: {  	[smem:$0x3FB0] =	sst s7  }
0x10: {  	[smem:$0x3FB1] =	sst s8  }
0x11: {  	[smem:$0x3FB2] =	sst s9;
	s0 =	simm.s32 @!p0 $0x0  }
0x12: {  	s1 =	sld [smem:$0x3F98];
	s0 =	simm.s32 @p0 $0x1  }
0x13: {  	[smem:$0x3FB3] =	sst s0;
	s0 =	simm.s32 @!p1 $0x0  }
0x14: {  	s2 =	sld [smem:$0x3F97];
	s0 =	simm.s32 @p1 $0x1  }
0x15: {  	[smem:$0x3FB4] =	sst s0;
	s0 =	simm.s32 @!p2 $0x0  }
0x16: {  	s3 =	sld [smem:$0x3FDB];
	s0 =	simm.s32 @p2 $0x1  }
0x17: {  	s4 =	simm.s32 $0x1BF5;
	[smem:$0x3FB6] =	sst s0  }
0x18: {  	s0 =	sld [smem:$0x3F99];
	_ =	swait.ge [sflag:s4], $0x0  }
0x19: {  	s7 =	sld [smem:$0x3F9A]  }
0x1a: {  	s8 =	sadd.s32 $0xFFFFE003, lr  }
0x1b: {  	s9 =	sadd.s32 $0xFFFFFEF7, lr;
	s5 =	simm.s32 $0xFFFFFFFF;
	p2 =	slt.u32 s8, $0xFFFFF086  }
0x1c: {  	p1 =	slt.u32 s9, $0xF7A;
	s5 =	simm.s32 @!p2 $0x0  }
0x1d: {  	s5 =	simm.s32 @p1 $0x1;
	p0 =	seq.s32 s7, s2  }
0x1e: {  	s7 =	smul.u32 @!p0 $0xF7A, s2;
	p2 =	seq.s32 @!p0 s5, $0x0  }
0x1f: {  	s9 =	smul.u32 $0xF7A, s1;
	s8 =	simm.s32 @!p0 $0x1BF5;
	p2 =	por !p2, p0  }
0x20: {  	[sflag:s8] =	ssyncset.s32 @!p0 $0xFFFFF086;
	s6 =	sadd.s32 @!p0 s3, s7;
	s7 =	simm.s32 @!p0 $0x108  }
0x21: {  	s3 =	sadd.s32 s3, s9;
	s6 =	sadd.s32 @!p0 $0x88, s6;
	s7 =	simm.s32 @p2 $0x1082  }
0x22: {  	[simem:s7], [sflag:s8] =	dma.local @!p0 [hbm:s6], $0xF7A  }
0x23: {  	s9 =	sor.u32 $0xD0000000, s2;
	s6 =	simm.s32 $0x108;
	_ =	swait.ge @!p0 [sflag:s8], $0x0  }
0x24: {  	s3 =	sadd.s32 $0x88, s3;
	s6 =	simm.s32 @!p1 $0x1082;
	[sflag:s4] =	ssyncset.s32 $0xFFFFF086  }
0x25: {  	[simem:s6], [sflag:s4] =	dma.local [hbm:s3], $0xF7A  }
0x26: {  	[smem:$0x3F9A] =	sst s1;
	(tag) =	ssettag s2;
	_ =	strace s9  }
0x27: {  	s1 =	sld [smem:$0x3FAA]  }
0x28: {  	s2 =	sld [smem:$0x3FAB]  }
0x29: {  	s4 =	sld [smem:$0x3FAD]  }
0x2a: {  	p0 =	seq.s32 s5, $0x0;
	s5 =	sld [smem:$0x3FAE]  }
0x2b: {  	s6 =	sld [smem:$0x3FAF]  }
0x2c: {  	s7 =	sld [smem:$0x3FB0]  }
0x2d: {  	s3 =	simm.s32 $0x108;
	s8 =	sld [smem:$0x3FB1]  }
0x2e: {  	s3 =	simm.s32 @!p0 $0x1082;
	s9 =	sld [smem:$0x3FB2]  }
0x2f: {  	lr =	sadd.s32 s0, s3;
	s0 =	sld [smem:$0x3FA9]  }
0x30: {  	s3 =	sld [smem:$0x3FAC]  }
0x31: {  	[smem:$0x3FB5] =	sst s10  }
0x32: {  	s10 =	sld [smem:$0x3FB3];
	_ =	sdelay $0x3  }
0x33: {  	p0 =	seq.s32 s10, $0x1;
	s10 =	sld [smem:$0x3FB5];
	_ =	sdelay $0x3  }
0x34: {  	[smem:$0x3FB5] =	sst s10  }
0x35: {  	s10 =	sld [smem:$0x3FB4];
	_ =	sdelay $0x3  }
0x36: {  	p1 =	seq.s32 s10, $0x1;
	s10 =	sld [smem:$0x3FB5];
	_ =	sdelay $0x3  }
0x37: {  	[smem:$0x3FB5] =	sst s10  }
0x38: {  	s10 =	sld [smem:$0x3FB6]  }
0x39: {  	_ = 	snop;
	(pc) =	sbr.ind lr, $3  }
0x3a: {  	_ = 	snop  }
0x3b: {  	_ = 	snop  }
0x3c: {  	p2 =	seq.s32 s10, $0x1;
	s10 =	sld [smem:$0x3FB5]  }
0x3d: {  	_ =	shalt  }
0x3e: {  	_ =	shalt  }
0x3f: {  	_ =	shalt  }
0x40: {  	_ =	shalt  }
0x41: {  	_ =	shalt  }
0x42: {  	_ =	shalt  }
0x43: {  	_ =	shalt  }
0x44: {  	_ =	shalt  }
0x45: {  	_ =	shalt  }
0x46: {  	_ =	shalt  }
0x47: {  	_ =	shalt  }
0x48: {  	_ =	shalt  }
0x49: {  	_ =	shalt  }
0x4a: {  	_ =	shalt  }
0x4b: {  	_ =	shalt  }
0x4c: {  	_ =	shalt  }
0x4d: {  	_ =	shalt  }
0x4e: {  	_ =	shalt  }
0x4f: {  	_ =	shalt  }
0x50: {  	_ =	shalt  }
0x51: {  	_ =	shalt  }
0x52: {  	_ =	shalt  }
0x53: {  	_ =	shalt  }
0x54: {  	_ =	shalt  }
0x55: {  	_ =	shalt  }
0x56: {  	_ =	shalt  }
0x57: {  	_ =	shalt  }
0x58: {  	_ =	shalt  }
0x59: {  	_ =	shalt  }
0x5a: {  	_ =	shalt  }
0x5b: {  	_ =	shalt  }
0x5c: {  	_ =	shalt  }
0x5d: {  	_ =	shalt  }
0x5e: {  	_ =	shalt  }
0x5f: {  	_ =	shalt  }
0x60: {  	_ =	shalt  }
0x61: {  	_ =	shalt  }
0x62: {  	_ =	shalt  }
0x63: {  	_ =	shalt  }
0x64: {  	_ =	shalt  }
0x65: {  	_ =	shalt  }
0x66: {  	_ =	shalt  }
0x67: {  	_ =	shalt  }
0x68: {  	_ =	shalt  }
0x69: {  	_ =	shalt  }
0x6a: {  	_ =	shalt  }
0x6b: {  	_ =	shalt  }
0x6c: {  	_ =	shalt  }
0x6d: {  	_ =	shalt  }
0x6e: {  	_ =	shalt  }
0x6f: {  	_ =	shalt  }
0x70: {  	_ =	shalt  }
0x71: {  	_ =	shalt  }
0x72: {  	_ =	shalt  }
0x73: {  	_ =	shalt  }
0x74: {  	_ =	shalt  }
0x75: {  	_ =	shalt  }
0x76: {  	_ =	shalt  }
0x77: {  	_ =	shalt  }
0x78: {  	_ =	shalt  }
0x79: {  	_ =	shalt  }
0x7a: {  	_ =	shalt  }
0x7b: {  	_ =	shalt  }
0x7c: {  	_ =	shalt  }
0x7d: {  	_ =	shalt  }
0x7e: {  	_ =	shalt  }
0x7f: {  	_ =	shalt  }
0x80: {  	_ =	shalt  }
0x81: {  	_ =	shalt  }
0x82: {  	_ =	shalt  }
0x83: {  	_ =	shalt  }
0x84: {  	_ =	shalt  }
0x85: {  	_ =	shalt  }
0x86: {  	_ =	shalt  }
0x87: {  	_ =	shalt  }
.Lfunc_end0:
.L_simem_size_0:
called_computation_lowered:
.L_overlay_start_0:
0x88: {  	s2 =	sld [smem:$0x3FD9]  }
0x89: {  	s3 =	sld [smem:$0x3FFE];
	_ =	sdelay $0x1  }
0x8a: {  	s1 =	srdreg.scid  }
0x8b: {  	s0 =	sand.u32 $0x1, s1  }
0x8c: {  	s17 =	sshll.u32 s0, $0xA;
	s2 =	sadd.s32 s3, s2  }
0x8d: {  	s2 =	sadd.s32 s2, s17  }
0x8e: {  	[smem:$0x3FC1] =	sst s2  }
0x8f: {  	_ = 	snop  }
0x90: {  	s2 =	sld [smem:$0x3FC9];
	(tm) =	ssettm $0x1  }
0x91: {  	s18 =	sld [smem:$0x3FFB];
	_ =	sdelay $0x3  }
0x92: {  	_ =	strace s18  }
0x93: {  	s3 =	sld [smem:$0x3FFC];
	_ =	sdelay $0x3  }
0x94: {  	_ =	strace s3  }
0x95: {  	s3 =	sld [smem:$0x3FFD];
	_ =	sdelay $0x3  }
0x96: {  	_ =	strace s3  }
0x97: {  	_ =	strace $0x8FFFFFFF  }
0x98: {  	s19 =	sld [smem:$0x3FDB];
	_ =	sdelay $0x1  }
0x99: {  	s4 =	simm.s32 $_scs_section_size  }
0x9a: {  	s5 =	simm.s32 $_size__tile_overlayer_lowered;
	s6 =	simm.s32 $_tile_overlayer_lowered  }
0x9b: {  	s22 =	simm.s32 $0x1BFF;
	s21 =	sshll.u32 s6, $0x1;
	s3 =	sadd.s32 s4, s19  }
0x9c: {  	s7 =	simm.s32 $0x0;
	s20 =	sshll.u32 s5, $0x1;
	s5 =	sadd.s32 s21, s3  }
0x9d: {  	[timem:s7], [sflag:s22] =	dma.local [hbm:s5], s20  }
0x9e: {  	_ =	swait.ge [sflag:s22], s20  }
0x9f: {  	s4 =	ssub.s32 $0x0, s20;
	[sflag:s22] =	ssyncset.done $0x0  }
0xa0: {  	[sflag:s22] =	ssyncadd.s32 s4;
	_ =	sdelay $0x1  }
0xa1: {  	s23 =	simm.s32 $0x1B8B  }
0xa2: {  	_ =	swait.ge [sflag:s23], $0x1  }
0xa3: {  	[sflag:s23] =	ssyncset.done $0x0  }
0xa4: {  	s25 =	simm.s32 $0x1B8E;
	s24 =	sld [smem:$0x3FFE];
	[sflag:s23] =	ssyncadd.s32 $0xFFFFFFFF  }
0xa5: {  	s26 =	simm.s32 $execute0_lowered;
	[smem:$0x3FD2] =	sst s25  }
0xa6: {  	s5 =	sshll.u32 s26, $0x1;
	_ =	strace $0x80000046;
	[dreg:$0x1] =	wrdreg $0xFFFFFFFF  }
0xa7: {  	s28 =	simm.s32 $_size_execute0_lowered;
	s3 =	sadd.s32 s3, s5;
	[dreg:$0x0] =	wrdreg $0x0  }
0xa8: {  	s5 =	sshll.u32 s28, $0x1;
	[dreg:$0x2] =	wrdreg s3  }
0xa9: {  	[dreg:$0x3] =	wrdreg s5  }
0xaa: {  	[dreg:$0x4] =	wrdreg $0xC0  }
0xab: {  	_ =	task [dreg:s7], $0x5FFFF  }
0xac: {  	[dreg:$0x1] =	wrdreg $0xFFFFFFFF  }
0xad: {  	[dreg:$0x0] =	wrdreg $0x60  }
0xae: {  	[dreg:$0x2] =	wrdreg s2  }
0xaf: {  	[dreg:$0x3] =	wrdreg s24  }
0xb0: {  	[dreg:$0x4] =	wrdreg $0x9  }
0xb1: {  	_ =	task.clear_ibuf [dreg:s7], $0x5FFFF;
	_ =	strace $0x90000046  }
0xb2: {  	s29 =	simm.s32 $0x9;
	_ =	strace $0x80000048  }
0xb3: {  	_ =	swait.ge [sflag:s29], $0x1  }
0xb4: {  	[sflag:s29] =	ssyncadd.s32 $0xFFFFFFFF  }
0xb5: {  	_ =	strace $0x90000048  }
0xb6: {  	_ =	sfence  }
0xb7: {  	s30 =	sld [smem:$0x0];
	_ =	sdelay $0x2  }
0xb8: {  	s31 =	sshll.u32 s1, $0xD;
	s1 =	sshrl.u32 s1, $0x2  }
0xb9: {  	s3 =	sand.u32 $0x4000, s31;
	s1 =	sadd.s32 s1, s30  }
0xba: {  	s0 =	sor.u32 s3, s0;
	s1 =	sshll.u32 s1, $0x11  }
0xbb: {  	s0 =	sor.u32 s1, s0  }
0xbc: {  	s0 =	sadd.s32 $0x8F2B, s0  }
0xbd: {  	[sflag:s0] =	ssyncadd.remote.s32 $0x1  }
0xbe: {  	_ =	sfence.sel $0xFFFF  }
0xbf: {  	[dreg:$0x0] =	wrdreg $0xFFFFFFFF;
	(pc) =	sbr.abs _section_cstart, $3  }
0xc0: {  	[dreg:$0x1] =	wrdreg $0xFFFFFFFF  }
0xc1: {  	_ =	task.clear_ibuf [dreg:s7], $0x2FFFF;
	_ =	strace $0x9FFFFFFF  }
0xc2: {  	(tm) =	ssettm $0x7FFFFFFF  }
0xc3: {  	_ =	shalt  }
tec
execute0_lowered:
.L_overlay_start_1:
0x0: {  	(tag) =	ssettag $0x1  }
0x1: {  	s1 =	rddreg [dreg:$0x0]  }
0x2: {  	s2 =	srdreg.scid;
	s0 =	stileid.u32  }
0x3: {  	s5 =	rddreg [dreg:$0x1];
	s25 =	simm.s32 $0x900;
	s26 =	simm.s32 $0x1100  }
0x4: {  	s10 =	simm.s32 $0x2100;
	s11 =	simm.s32 $0x2900;
	s12 =	simm.s32 $0x3100  }
0x5: {  	s13 =	simm.s32 $0x3900;
	s14 =	simm.s32 $0x4100;
	s15 =	simm.s32 $0x4900  }
0x6: {  	s16 =	simm.s32 $0x5100;
	s17 =	simm.s32 $0x5900;
	s18 =	simm.s32 $0x6100  }
0x7: {  	s19 =	simm.s32 $0x6900;
	s20 =	simm.s32 $0x7100;
	s21 =	simm.s32 $0x7900  }
0x8: {  	s22 =	simm.s32 $0x8100;
	s23 =	simm.s32 $0x8900;
	s28 =	simm.s32 $0xA900  }
0x9: {  	s29 =	simm.s32 $0xB100;
	s30 =	simm.s32 $0xB900;
	s31 =	simm.s32 $0x1  }
0xa: {  	s4 =	sand.u32 $0x1, s2;
	s3 =	sshll.u32 s0, $0x1;
	s2 =	simm.s32 $0x0  }
0xb: {  	s6 =	sor.u32 s4, s3;
	[smem:$0x7FF] =	sst s2;
	s4 =	ssub.s32 $0x2, s4  }
0xc: {  	s3 =	sshll.u32 s6, $0x5;
	_ =	strace $0x80000047;
	s8 =	smul.u32 $0xC000, s6  }
0xd: {  	s6 =	smul.u32 $0x1800, s6;
	s9 =	sshrl.u32 s4, $0x1;
	[dreg:$0x6] =	wrdreg s25  }
0xe: {  	[dreg:$0x7] =	wrdreg s26;
	s25 =	simm.s32 $0x9900;
	s26 =	simm.s32 $0xA100  }
0xf: {  	s7 =	sadd.s32 s3, s5;
	s3 =	sadd.s32 $0xA00, s5;
	s24 =	ssub.s32 s4, s9  }
0x10: {  	s4 =	sadd.s32 $0xB00, s5;
	s5 =	sadd.s32 $0xC00, s5;
	s7 =	sadd.s32 $0x600, s7  }
0x11: {  	s8 =	sshrl.u32 s8, $0x3;
	s6 =	sadd.s32 s1, s6;
	[dreg:$0x3] =	wrdreg s7  }
0x12: {  	v2 =	vlaneseq.u32;
	s1 =	sadd.s32 s1, s8;
	[dreg:$0x4] =	wrdreg s6;
	s6 =	smax.u32 s24, $0x1  }
0x13: {  	vm0 =	vmmov $0xffff;
	v1 =	vshrl.u32 v2, $0x3;
	s7 =	simm.s32 $0x3;
	s8 =	simm.s32 $0x100;
	s1 =	sadd.s32 $0xC00, s1  }
0x14: {  	v0 =	vand.u32 $0x7, v2;
	v2 =	vor.u32 $0x8, v2;
	v1 =	vmul.u32 $0x8, v1;
	s24 =	simm.s32 $0x9100;
	[dreg:$0x5] =	wrdreg s1;
	s1 =	simm.s32 $0x2  }
.LBB2_1:
0x15: {  	s0 =	rddreg [dreg:$0x3]  }
0x16: {  	[tilespmem:s2], [sflag:$0x3] =	stream.linear.gather [hbm4b:s0+s2], $0x100, $0x38;
	[tilespmem:$0xC100] =	vst v63  }
0x17: {  	_ =	swait.ge [sflag:s7], $0x100  }
0x18: {  	[sflag:s7] =	ssyncset.done $0x0  }
0x19: {  	s9 =	rddreg [dreg:$0x4];
	[sflag:s7] =	ssyncadd.s32 $0xFFFFFF00  }
0x1a: {  	[tilespmem:s8], [sflag:$0x3] =	stream.linear.gather [hbm4b:s9+s2], $0x6000, $0x38;
	[tilespmem:$0xC100] =	vst v63  }
0x1b: {  	_ =	swait.ge [sflag:s7], $0x6000  }
0x1c: {  	[sflag:s7] =	ssyncset.done $0x0  }
0x1d: {  	[sflag:s7] =	ssyncadd.s32 $0xFFFFA000  }
0x1e: {  	v3 =	vld [tilespmem:$0x0];
	_ =	sdelay $0x4  }
0x1f: {  	v4 =	vshrl.u32 v3, $0x3  }
0x20: {  	v4 =	vmul.u32 $0x30, v4  }
0x21: {  	v3 =	vand.u32 $0x7, v3  }
0x22: {  	v3 =	vor.u32 v3, v4  }
0x23: {  	v4 =	vperm.xlane v3, v0;
	_ =	sdelay $0x1  }
0x24: {  	v4 =	vadd.s32 v1, v4;
	_ =	sdelay $0x3  }
0x25: {  	v3 =	vperm.xlane v3, v2  }
0x26: {  	[hbm4b:s3+s2] =	stream.indirect_vreg.scatter [tilespmem:s8], [sflag:$0x1], $0x80, v4, vm0, $0xb8;
	[tilespmem:$0xC100] =	vst v63  }
0x27: {  	s0 =	rddreg [dreg:$0x6];
	v3 =	vadd.s32 v1, v3  }
0x28: {  	[hbm4b:s4+s2] =	stream.indirect_vreg.scatter [tilespmem:s0], [sflag:$0x1], $0x80, v4, vm0, $0xb8;
	[tilespmem:$0xC100] =	vst v63  }
0x29: {  	s9 =	rddreg [dreg:$0x7]  }
0x2a: {  	[hbm4b:s5+s2] =	stream.indirect_vreg.scatter [tilespmem:s9], [sflag:$0x1], $0x80, v4, vm0, $0xb8;
	[tilespmem:$0xC100] =	vst v63  }
0x2b: {  	s9 =	simm.s32 $0x1900  }
0x2c: {  	[hbm4b:s3+s2] =	stream.indirect_vreg.scatter [tilespmem:s9], [sflag:$0x1], $0x80, v3, vm0, $0xb8;
	[tilespmem:$0xC100] =	vst v63  }
0x2d: {  	_ = 	snop  }
0x2e: {  	[hbm4b:s4+s2] =	stream.indirect_vreg.scatter [tilespmem:s10], [sflag:$0x1], $0x80, v3, vm0, $0xb8;
	[tilespmem:$0xC100] =	vst v63  }
0x2f: {  	_ = 	snop  }
0x30: {  	[hbm4b:s5+s2] =	stream.indirect_vreg.scatter [tilespmem:s11], [sflag:$0x1], $0x80, v3, vm0, $0xb8;
	[tilespmem:$0xC100] =	vst v63  }
0x31: {  	v3 =	vld [tilespmem:$0x10];
	_ =	sdelay $0x4  }
0x32: {  	v61 =	vshrl.u32 v3, $0x3  }
0x33: {  	v4 =	vmul.u32 $0x30, v61  }
0x34: {  	v3 =	vand.u32 $0x7, v3  }
0x35: {  	v3 =	vor.u32 v3, v4  }
0x36: {  	v4 =	vperm.xlane v3, v0;
	_ =	sdelay $0x1  }
0x37: {  	v4 =	vadd.s32 v1, v4;
	_ =	sdelay $0x3  }
0x38: {  	v3 =	vperm.xlane v3, v2  }
0x39: {  	[hbm4b:s3+s2] =	stream.indirect_vreg.scatter [tilespmem:s12], [sflag:$0x1], $0x80, v4, vm0, $0xb8;
	[tilespmem:$0xC100] =	vst v63  }
0x3a: {  	v3 =	vadd.s32 v1, v3  }
0x3b: {  	[hbm4b:s4+s2] =	stream.indirect_vreg.scatter [tilespmem:s13], [sflag:$0x1], $0x80, v4, vm0, $0xb8;
	[tilespmem:$0xC100] =	vst v63  }
0x3c: {  	_ = 	snop  }
0x3d: {  	[hbm4b:s5+s2] =	stream.indirect_vreg.scatter [tilespmem:s14], [sflag:$0x1], $0x80, v4, vm0, $0xb8;
	[tilespmem:$0xC100] =	vst v63  }
0x3e: {  	_ = 	snop  }
0x3f: {  	[hbm4b:s3+s2] =	stream.indirect_vreg.scatter [tilespmem:s15], [sflag:$0x1], $0x80, v3, vm0, $0xb8;
	[tilespmem:$0xC100] =	vst v63  }
0x40: {  	_ = 	snop  }
0x41: {  	[hbm4b:s4+s2] =	stream.indirect_vreg.scatter [tilespmem:s16], [sflag:$0x1], $0x80, v3, vm0, $0xb8;
	[tilespmem:$0xC100] =	vst v63  }
0x42: {  	_ = 	snop  }
0x43: {  	[hbm4b:s5+s2] =	stream.indirect_vreg.scatter [tilespmem:s17], [sflag:$0x1], $0x80, v3, vm0, $0xb8;
	[tilespmem:$0xC100] =	vst v63  }
0x44: {  	s9 =	rddreg [dreg:$0x5]  }
0x45: {  	[tilespmem:s18], [sflag:$0x3] =	stream.linear.gather [hbm4b:s9+s2], $0x6000, $0x38;
	[tilespmem:$0xC100] =	vst v63  }
0x46: {  	_ =	swait.ge [sflag:s7], $0x6000  }
0x47: {  	[sflag:s7] =	ssyncset.done $0x0  }
0x48: {  	[sflag:s7] =	ssyncadd.s32 $0xFFFFA000  }
0x49: {  	v3 =	vld [tilespmem:$0x80];
	_ =	sdelay $0x4  }
0x4a: {  	v62 =	vshrl.u32 v3, $0x3  }
0x4b: {  	v4 =	vmul.u32 $0x30, v62  }
0x4c: {  	v3 =	vand.u32 $0x7, v3  }
0x4d: {  	v3 =	vor.u32 v3, v4  }
0x4e: {  	v4 =	vperm.xlane v3, v0;
	_ =	sdelay $0x1  }
0x4f: {  	v4 =	vadd.s32 v1, v4;
	_ =	sdelay $0x3  }
0x50: {  	v3 =	vperm.xlane v3, v2  }
0x51: {  	[hbm4b:s3+s2] =	stream.indirect_vreg.scatter [tilespmem:s18], [sflag:$0x2], $0x80, v4, vm0, $0xb8;
	[tilespmem:$0xC100] =	vst v63  }
0x52: {  	v3 =	vadd.s32 v1, v3  }
0x53: {  	[hbm4b:s4+s2] =	stream.indirect_vreg.scatter [tilespmem:s19], [sflag:$0x2], $0x80, v4, vm0, $0xb8;
	[tilespmem:$0xC100] =	vst v63  }
0x54: {  	_ = 	snop  }
0x55: {  	[hbm4b:s5+s2] =	stream.indirect_vreg.scatter [tilespmem:s20], [sflag:$0x2], $0x80, v4, vm0, $0xb8;
	[tilespmem:$0xC100] =	vst v63  }
0x56: {  	_ = 	snop  }
0x57: {  	[hbm4b:s3+s2] =	stream.indirect_vreg.scatter [tilespmem:s21], [sflag:$0x2], $0x80, v3, vm0, $0xb8;
	[tilespmem:$0xC100] =	vst v63  }
0x58: {  	_ = 	snop  }
0x59: {  	[hbm4b:s4+s2] =	stream.indirect_vreg.scatter [tilespmem:s22], [sflag:$0x2], $0x80, v3, vm0, $0xb8;
	[tilespmem:$0xC100] =	vst v63  }
0x5a: {  	_ = 	snop  }
0x5b: {  	[hbm4b:s5+s2] =	stream.indirect_vreg.scatter [tilespmem:s23], [sflag:$0x2], $0x80, v3, vm0, $0xb8;
	[tilespmem:$0xC100] =	vst v63  }
0x5c: {  	v3 =	vld [tilespmem:$0x90];
	_ =	sdelay $0x4  }
0x5d: {  	v63 =	vshrl.u32 v3, $0x3  }
0x5e: {  	v4 =	vmul.u32 $0x30, v63  }
0x5f: {  	v3 =	vand.u32 $0x7, v3  }
0x60: {  	v3 =	vor.u32 v3, v4  }
0x61: {  	v4 =	vperm.xlane v3, v0;
	_ =	sdelay $0x1  }
0x62: {  	v4 =	vadd.s32 v1, v4;
	_ =	sdelay $0x3  }
0x63: {  	v3 =	vperm.xlane v3, v2  }
0x64: {  	[hbm4b:s3+s2] =	stream.indirect_vreg.scatter [tilespmem:s24], [sflag:$0x2], $0x80, v4, vm0, $0xb8;
	[tilespmem:$0xC100] =	vst v63  }
0x65: {  	v3 =	vadd.s32 v1, v3  }
0x66: {  	[hbm4b:s4+s2] =	stream.indirect_vreg.scatter [tilespmem:s25], [sflag:$0x2], $0x80, v4, vm0, $0xb8;
	[tilespmem:$0xC100] =	vst v63  }
0x67: {  	_ = 	snop  }
0x68: {  	[hbm4b:s5+s2] =	stream.indirect_vreg.scatter [tilespmem:s26], [sflag:$0x2], $0x80, v4, vm0, $0xb8;
	[tilespmem:$0xC100] =	vst v63  }
0x69: {  	_ = 	snop  }
0x6a: {  	[hbm4b:s3+s2] =	stream.indirect_vreg.scatter [tilespmem:s28], [sflag:$0x2], $0x80, v3, vm0, $0xb8;
	[tilespmem:$0xC100] =	vst v63  }
0x6b: {  	_ = 	snop  }
0x6c: {  	[hbm4b:s4+s2] =	stream.indirect_vreg.scatter [tilespmem:s29], [sflag:$0x2], $0x80, v3, vm0, $0xb8;
	[tilespmem:$0xC100] =	vst v63  }
0x6d: {  	_ = 	snop  }
0x6e: {  	[hbm4b:s5+s2] =	stream.indirect_vreg.scatter [tilespmem:s30], [sflag:$0x2], $0x80, v3, vm0, $0xb8;
	[tilespmem:$0xC100] =	vst v63  }
0x6f: {  	p0 =	sne.s32 s6, $0x1;
	_ =	swait.ge [sflag:s31], $0x6000  }
.Ltmp0:
0x70: {  	[sflag:s31] =	ssyncset.done $0x0;
	(pc) =	sbr.rel @p0 .LBB2_1-.Ltmp0, $4  }
0x71: {  	[sflag:s31] =	ssyncadd.s32 $0xFFFFA000  }
0x72: {  	_ =	swait.ge [sflag:s1], $0x6000  }
0x73: {  	[sflag:s1] =	ssyncset.done $0x0  }
0x74: {  	s6 =	sadd.s32 $0xFFFFFFFF, s6;
	[sflag:s1] =	ssyncadd.s32 $0xFFFFA000  }
0x75: {  	_ =	sfence.sel $0x180000  }
0x76: {  	[bflag:$0x0] =	sbarrier.arrive $0xFFFF  }
0x77: {  	_ =	strace $0x90000047  }
0x78: {  	s0 =	stileid.u32;
	[bflag:$0x2] =	sbarrier.arrive $0xFFFF  }
0x79: {  	p0 =	sne.s32 s0, $0x0;
	s0 =	rddreg [dreg:$0x2]  }
0x7a: {  	s0 =	sadd.s32 @!p0 $0x100000, s0  }
0x7b: {  	[sflag:s0] =	ssyncadd.tile.s32 @!p0 $0x1;
	_ =	shalt  }
.Lfunc_end2:
_tile_overlayer_lowered:
.L_overlay_start_2:
0x7c: {  	(tag) =	ssettag $0x2  }
0x7d: {  	s0 =	rddreg [dreg:$0x0];
	s2 =	stileid.u32  }
0x7e: {  	s1 =	rddreg [dreg:$0x1];
	p0 =	sne.s32 s2, $0x0  }
0x7f: {  	s3 =	rddreg [dreg:$0x2];
	[bflag:$0x3] =	sbarrier.arrive $0xFFFF;
	s2 =	simm.s32 @!p0 $0x1C03  }
0x80: {  	[timem:s3], [sflag:s2] =	dma.local @!p0 [hbm:s0], s1  }
0x81: {  	s0 =	simm.s32 @!p0 $0x3  }
0x82: {  	_ =	swait.ge @!p0 [sflag:s0], s1  }
0x83: {  	s1 =	ssub.s32 @!p0 $0x0, s1;
	[sflag:s0] =	ssyncset.done @!p0 $0x0  }
0x84: {  	[sflag:s0] =	ssyncadd.s32 @!p0 s1  }
0x85: {  	[bflag:$0x3] =	sbarrier.arrive $0xFFFF  }
0x86: {  	_ =	shalt  }

// kernel: kernel.9.cloned.1.call-start
scs
__scs_entry_jumppad:
0x0: {  	(pc) =	sbr.rel $0x88, $3  }
0x1: {  	(tag) =	ssettag $0x0;
	lr =	simm.s32 $0x1  }
0x2: {  	[smem:$0x3F9A] =	sst lr;
	_ =	strace $0xD0000000  }
0x3: {  	_ = 	snop  }
0x4: {  	_ = 	snop  }
0x5: {  	_ = 	snop  }
0x6: {  	_ = 	snop  }
0x7: {  	_ = 	snop  }
__scs_overlays_trampoline_lowered:
0x8: {  	[smem:$0x3FA9] =	sst s0  }
0x9: {  	[smem:$0x3FAA] =	sst s1  }
0xa: {  	[smem:$0x3FAB] =	sst s2  }
0xb: {  	[smem:$0x3FAC] =	sst s3  }
0xc: {  	[smem:$0x3FAD] =	sst s4  }
0xd: {  	[smem:$0x3FAE] =	sst s5  }
0xe: {  	[smem:$0x3FAF] =	sst s6  }
0xf: {  	[smem:$0x3FB0] =	sst s7  }
0x10: {  	[smem:$0x3FB1] =	sst s8  }
0x11: {  	[smem:$0x3FB2] =	sst s9;
	s0 =	simm.s32 @!p0 $0x0  }
0x12: {  	s1 =	sld [smem:$0x3F98];
	s0 =	simm.s32 @p0 $0x1  }
0x13: {  	[smem:$0x3FB3] =	sst s0;
	s0 =	simm.s32 @!p1 $0x0  }
0x14: {  	s2 =	sld [smem:$0x3F97];
	s0 =	simm.s32 @p1 $0x1  }
0x15: {  	[smem:$0x3FB4] =	sst s0;
	s0 =	simm.s32 @!p2 $0x0  }
0x16: {  	s3 =	sld [smem:$0x3FDB];
	s0 =	simm.s32 @p2 $0x1  }
0x17: {  	s4 =	simm.s32 $0x1BF5;
	[smem:$0x3FB6] =	sst s0  }
0x18: {  	s0 =	sld [smem:$0x3F99];
	_ =	swait.ge [sflag:s4], $0x0  }
0x19: {  	s7 =	sld [smem:$0x3F9A]  }
0x1a: {  	s8 =	sadd.s32 $0xFFFFE003, lr  }
0x1b: {  	s9 =	sadd.s32 $0xFFFFFEF7, lr;
	s5 =	simm.s32 $0xFFFFFFFF;
	p2 =	slt.u32 s8, $0xFFFFF086  }
0x1c: {  	p1 =	slt.u32 s9, $0xF7A;
	s5 =	simm.s32 @!p2 $0x0  }
0x1d: {  	s5 =	simm.s32 @p1 $0x1;
	p0 =	seq.s32 s7, s2  }
0x1e: {  	s7 =	smul.u32 @!p0 $0xF7A, s2;
	p2 =	seq.s32 @!p0 s5, $0x0  }
0x1f: {  	s9 =	smul.u32 $0xF7A, s1;
	s8 =	simm.s32 @!p0 $0x1BF5;
	p2 =	por !p2, p0  }
0x20: {  	[sflag:s8] =	ssyncset.s32 @!p0 $0xFFFFF086;
	s6 =	sadd.s32 @!p0 s3, s7;
	s7 =	simm.s32 @!p0 $0x108  }
0x21: {  	s3 =	sadd.s32 s3, s9;
	s6 =	sadd.s32 @!p0 $0x88, s6;
	s7 =	simm.s32 @p2 $0x1082  }
0x22: {  	[simem:s7], [sflag:s8] =	dma.local @!p0 [hbm:s6], $0xF7A  }
0x23: {  	s9 =	sor.u32 $0xD0000000, s2;
	s6 =	simm.s32 $0x108;
	_ =	swait.ge @!p0 [sflag:s8], $0x0  }
0x24: {  	s3 =	sadd.s32 $0x88, s3;
	s6 =	simm.s32 @!p1 $0x1082;
	[sflag:s4] =	ssyncset.s32 $0xFFFFF086  }
0x25: {  	[simem:s6], [sflag:s4] =	dma.local [hbm:s3], $0xF7A  }
0x26: {  	[smem:$0x3F9A] =	sst s1;
	(tag) =	ssettag s2;
	_ =	strace s9  }
0x27: {  	s1 =	sld [smem:$0x3FAA]  }
0x28: {  	s2 =	sld [smem:$0x3FAB]  }
0x29: {  	s4 =	sld [smem:$0x3FAD]  }
0x2a: {  	p0 =	seq.s32 s5, $0x0;
	s5 =	sld [smem:$0x3FAE]  }
0x2b: {  	s6 =	sld [smem:$0x3FAF]  }
0x2c: {  	s7 =	sld [smem:$0x3FB0]  }
0x2d: {  	s3 =	simm.s32 $0x108;
	s8 =	sld [smem:$0x3FB1]  }
0x2e: {  	s3 =	simm.s32 @!p0 $0x1082;
	s9 =	sld [smem:$0x3FB2]  }
0x2f: {  	lr =	sadd.s32 s0, s3;
	s0 =	sld [smem:$0x3FA9]  }
0x30: {  	s3 =	sld [smem:$0x3FAC]  }
0x31: {  	[smem:$0x3FB5] =	sst s10  }
0x32: {  	s10 =	sld [smem:$0x3FB3];
	_ =	sdelay $0x3  }
0x33: {  	p0 =	seq.s32 s10, $0x1;
	s10 =	sld [smem:$0x3FB5];
	_ =	sdelay $0x3  }
0x34: {  	[smem:$0x3FB5] =	sst s10  }
0x35: {  	s10 =	sld [smem:$0x3FB4];
	_ =	sdelay $0x3  }
0x36: {  	p1 =	seq.s32 s10, $0x1;
	s10 =	sld [smem:$0x3FB5];
	_ =	sdelay $0x3  }
0x37: {  	[smem:$0x3FB5] =	sst s10  }
0x38: {  	s10 =	sld [smem:$0x3FB6]  }
0x39: {  	_ = 	snop;
	(pc) =	sbr.ind lr, $3  }
0x3a: {  	_ = 	snop  }
0x3b: {  	_ = 	snop  }
0x3c: {  	p2 =	seq.s32 s10, $0x1;
	s10 =	sld [smem:$0x3FB5]  }
0x3d: {  	_ =	shalt  }
0x3e: {  	_ =	shalt  }
0x3f: {  	_ =	shalt  }
0x40: {  	_ =	shalt  }
0x41: {  	_ =	shalt  }
0x42: {  	_ =	shalt  }
0x43: {  	_ =	shalt  }
0x44: {  	_ =	shalt  }
0x45: {  	_ =	shalt  }
0x46: {  	_ =	shalt  }
0x47: {  	_ =	shalt  }
0x48: {  	_ =	shalt  }
0x49: {  	_ =	shalt  }
0x4a: {  	_ =	shalt  }
0x4b: {  	_ =	shalt  }
0x4c: {  	_ =	shalt  }
0x4d: {  	_ =	shalt  }
0x4e: {  	_ =	shalt  }
0x4f: {  	_ =	shalt  }
0x50: {  	_ =	shalt  }
0x51: {  	_ =	shalt  }
0x52: {  	_ =	shalt  }
0x53: {  	_ =	shalt  }
0x54: {  	_ =	shalt  }
0x55: {  	_ =	shalt  }
0x56: {  	_ =	shalt  }
0x57: {  	_ =	shalt  }
0x58: {  	_ =	shalt  }
0x59: {  	_ =	shalt  }
0x5a: {  	_ =	shalt  }
0x5b: {  	_ =	shalt  }
0x5c: {  	_ =	shalt  }
0x5d: {  	_ =	shalt  }
0x5e: {  	_ =	shalt  }
0x5f: {  	_ =	shalt  }
0x60: {  	_ =	shalt  }
0x61: {  	_ =	shalt  }
0x62: {  	_ =	shalt  }
0x63: {  	_ =	shalt  }
0x64: {  	_ =	shalt  }
0x65: {  	_ =	shalt  }
0x66: {  	_ =	shalt  }
0x67: {  	_ =	shalt  }
0x68: {  	_ =	shalt  }
0x69: {  	_ =	shalt  }
0x6a: {  	_ =	shalt  }
0x6b: {  	_ =	shalt  }
0x6c: {  	_ =	shalt  }
0x6d: {  	_ =	shalt  }
0x6e: {  	_ =	shalt  }
0x6f: {  	_ =	shalt  }
0x70: {  	_ =	shalt  }
0x71: {  	_ =	shalt  }
0x72: {  	_ =	shalt  }
0x73: {  	_ =	shalt  }
0x74: {  	_ =	shalt  }
0x75: {  	_ =	shalt  }
0x76: {  	_ =	shalt  }
0x77: {  	_ =	shalt  }
0x78: {  	_ =	shalt  }
0x79: {  	_ =	shalt  }
0x7a: {  	_ =	shalt  }
0x7b: {  	_ =	shalt  }
0x7c: {  	_ =	shalt  }
0x7d: {  	_ =	shalt  }
0x7e: {  	_ =	shalt  }
0x7f: {  	_ =	shalt  }
0x80: {  	_ =	shalt  }
0x81: {  	_ =	shalt  }
0x82: {  	_ =	shalt  }
0x83: {  	_ =	shalt  }
0x84: {  	_ =	shalt  }
0x85: {  	_ =	shalt  }
0x86: {  	_ =	shalt  }
0x87: {  	_ =	shalt  }
.Lfunc_end0:
.L_simem_size_0:
called_computation.1_lowered:
.L_overlay_start_0:
0x88: {  	s2 =	sld [smem:$0x3FD9]  }
0x89: {  	s3 =	sld [smem:$0x3FFE];
	_ =	sdelay $0x1  }
0x8a: {  	s1 =	srdreg.scid  }
0x8b: {  	s0 =	sand.u32 $0x1, s1  }
0x8c: {  	s17 =	sshll.u32 s0, $0xA;
	s2 =	sadd.s32 s3, s2  }
0x8d: {  	s2 =	sadd.s32 s2, s17  }
0x8e: {  	[smem:$0x3FC1] =	sst s2  }
0x8f: {  	_ = 	snop  }
0x90: {  	s2 =	sld [smem:$0x3FD0];
	(tm) =	ssettm $0x1  }
0x91: {  	s18 =	sld [smem:$0x3FFB];
	_ =	sdelay $0x3  }
0x92: {  	_ =	strace s18  }
0x93: {  	s3 =	sld [smem:$0x3FFC];
	_ =	sdelay $0x3  }
0x94: {  	_ =	strace s3  }
0x95: {  	s3 =	sld [smem:$0x3FFD];
	_ =	sdelay $0x3  }
0x96: {  	_ =	strace s3  }
0x97: {  	_ =	strace $0x8FFFFFFF  }
0x98: {  	s19 =	sld [smem:$0x3FDB];
	_ =	sdelay $0x1  }
0x99: {  	s4 =	simm.s32 $_scs_section_size  }
0x9a: {  	s5 =	simm.s32 $_size__tile_overlayer_lowered;
	s6 =	simm.s32 $_tile_overlayer_lowered  }
0x9b: {  	s22 =	simm.s32 $0x1BFF;
	s21 =	sshll.u32 s6, $0x1;
	s3 =	sadd.s32 s4, s19  }
0x9c: {  	s7 =	simm.s32 $0x0;
	s20 =	sshll.u32 s5, $0x1;
	s5 =	sadd.s32 s21, s3  }
0x9d: {  	[timem:s7], [sflag:s22] =	dma.local [hbm:s5], s20  }
0x9e: {  	_ =	swait.ge [sflag:s22], s20  }
0x9f: {  	s4 =	ssub.s32 $0x0, s20;
	[sflag:s22] =	ssyncset.done $0x0  }
0xa0: {  	[sflag:s22] =	ssyncadd.s32 s4;
	_ =	sdelay $0x1  }
0xa1: {  	s23 =	simm.s32 $0x1B8B  }
0xa2: {  	_ =	swait.ge [sflag:s23], $0x1  }
0xa3: {  	[sflag:s23] =	ssyncset.done $0x0  }
0xa4: {  	s25 =	simm.s32 $0x1B8E;
	s24 =	sld [smem:$0x3FFE];
	[sflag:s23] =	ssyncadd.s32 $0xFFFFFFFF  }
0xa5: {  	s26 =	simm.s32 $execute0_lowered;
	[smem:$0x3FD2] =	sst s25  }
0xa6: {  	s5 =	sshll.u32 s26, $0x1;
	_ =	strace $0x80000049;
	[dreg:$0x1] =	wrdreg $0xFFFFFFFF  }
0xa7: {  	s28 =	simm.s32 $_size_execute0_lowered;
	s3 =	sadd.s32 s3, s5;
	[dreg:$0x0] =	wrdreg $0x0  }
0xa8: {  	s5 =	sshll.u32 s28, $0x1;
	[dreg:$0x2] =	wrdreg s3  }
0xa9: {  	[dreg:$0x3] =	wrdreg s5  }
0xaa: {  	[dreg:$0x4] =	wrdreg $0xC0  }
0xab: {  	_ =	task [dreg:s7], $0x5FFFF  }
0xac: {  	[dreg:$0x1] =	wrdreg $0xFFFFFFFF  }
0xad: {  	[dreg:$0x0] =	wrdreg $0x60  }
0xae: {  	[dreg:$0x2] =	wrdreg s24  }
0xaf: {  	[dreg:$0x3] =	wrdreg s2  }
0xb0: {  	[dreg:$0x4] =	wrdreg $0x9  }
0xb1: {  	_ =	task.clear_ibuf [dreg:s7], $0x5FFFF;
	_ =	strace $0x90000049  }
0xb2: {  	s29 =	simm.s32 $0x9;
	_ =	strace $0x8000004B  }
0xb3: {  	_ =	swait.ge [sflag:s29], $0x1  }
0xb4: {  	[sflag:s29] =	ssyncadd.s32 $0xFFFFFFFF  }
0xb5: {  	_ =	strace $0x9000004B  }
0xb6: {  	_ =	sfence  }
0xb7: {  	s30 =	sld [smem:$0x0];
	_ =	sdelay $0x2  }
0xb8: {  	s31 =	sshll.u32 s1, $0xD;
	s1 =	sshrl.u32 s1, $0x2  }
0xb9: {  	s3 =	sand.u32 $0x4000, s31;
	s1 =	sadd.s32 s1, s30  }
0xba: {  	s0 =	sor.u32 s3, s0;
	s1 =	sshll.u32 s1, $0x11  }
0xbb: {  	s0 =	sor.u32 s1, s0  }
0xbc: {  	s0 =	sadd.s32 $0x8F2B, s0  }
0xbd: {  	[sflag:s0] =	ssyncadd.remote.s32 $0x1  }
0xbe: {  	_ =	sfence.sel $0xFFFF  }
0xbf: {  	[dreg:$0x0] =	wrdreg $0xFFFFFFFF;
	(pc) =	sbr.abs _section_cstart, $3  }
0xc0: {  	[dreg:$0x1] =	wrdreg $0xFFFFFFFF  }
0xc1: {  	_ =	task.clear_ibuf [dreg:s7], $0x2FFFF;
	_ =	strace $0x9FFFFFFF  }
0xc2: {  	(tm) =	ssettm $0x7FFFFFFF  }
0xc3: {  	_ =	shalt  }
tec
execute0_lowered:
.L_overlay_start_1:
0x0: {  	(tag) =	ssettag $0x1  }
0x1: {  	s0 =	rddreg [dreg:$0x0]  }
0x2: {  	s4 =	rddreg [dreg:$0x1];
	s2 =	simm.s32 $0x0  }
0x3: {  	s3 =	srdreg.scid;
	s1 =	stileid.u32;
	s25 =	simm.s32 $0x900  }
0x4: {  	s26 =	simm.s32 $0x1100;
	s10 =	simm.s32 $0x2100;
	s11 =	simm.s32 $0x2900  }
0x5: {  	s12 =	simm.s32 $0x3100;
	s13 =	simm.s32 $0x3900;
	s14 =	simm.s32 $0x4100  }
0x6: {  	s15 =	simm.s32 $0x4900;
	s16 =	simm.s32 $0x5100;
	s17 =	simm.s32 $0x5900  }
0x7: {  	s18 =	simm.s32 $0x6100;
	s19 =	simm.s32 $0x6900;
	s20 =	simm.s32 $0x7100  }
0x8: {  	s21 =	simm.s32 $0x7900;
	s28 =	simm.s32 $0xA900;
	s29 =	simm.s32 $0xB100  }
0x9: {  	s30 =	simm.s32 $0xB900;
	s31 =	simm.s32 $0x1;
	[smem:$0x7FF] =	sst s2  }
0xa: {  	s5 =	sand.u32 $0x1, s3;
	s22 =	sshll.u32 s1, $0x1;
	s3 =	sadd.s32 $0xA00, s0  }
0xb: {  	_ =	strace $0x8000004A;
	s6 =	sor.u32 s5, s22;
	[dreg:$0x6] =	wrdreg s25  }
0xc: {  	s5 =	ssub.s32 $0x2, s5;
	[dreg:$0x7] =	wrdreg s26;
	s22 =	simm.s32 $0x8100  }
0xd: {  	s25 =	simm.s32 $0x9900;
	s7 =	sshll.u32 s6, $0x5;
	s8 =	smul.u32 $0xC000, s6  }
0xe: {  	s6 =	smul.u32 $0x1800, s6;
	s9 =	sshrl.u32 s5, $0x1;
	s7 =	sadd.s32 s7, s0  }
0xf: {  	s26 =	simm.s32 $0xA100;
	s23 =	ssub.s32 s5, s9;
	s7 =	sadd.s32 $0x600, s7  }
0x10: {  	s8 =	sshrl.u32 s8, $0x3;
	s6 =	sadd.s32 s4, s6;
	[dreg:$0x3] =	wrdreg s7  }
0x11: {  	s5 =	sadd.s32 $0xC00, s0;
	s4 =	sadd.s32 s4, s8;
	[dreg:$0x4] =	wrdreg s6  }
0x12: {  	v2 =	vlaneseq.u32;
	s6 =	smax.u32 s23, $0x1;
	s7 =	simm.s32 $0x3;
	s8 =	simm.s32 $0x100  }
0x13: {  	vm0 =	vmmov $0xffff;
	v1 =	vshrl.u32 v2, $0x3;
	s23 =	simm.s32 $0x8900;
	s24 =	sadd.s32 $0xC00, s4;
	s4 =	sadd.s32 $0xB00, s0  }
0x14: {  	v0 =	vand.u32 $0x7, v2;
	v2 =	vor.u32 $0x8, v2;
	v1 =	vmul.u32 $0x8, v1;
	s0 =	simm.s32 $0x2;
	[dreg:$0x5] =	wrdreg s24;
	s24 =	simm.s32 $0x9100  }
.LBB2_1:
0x15: {  	s1 =	rddreg [dreg:$0x3]  }
0x16: {  	[tilespmem:s2], [sflag:$0x3] =	stream.linear.gather [hbm4b:s1+s2], $0x100, $0x38;
	[tilespmem:$0xC100] =	vst v63  }
0x17: {  	_ =	swait.ge [sflag:s7], $0x100  }
0x18: {  	[sflag:s7] =	ssyncset.done $0x0  }
0x19: {  	[sflag:s7] =	ssyncadd.s32 $0xFFFFFF00  }
0x1a: {  	v3 =	vld [tilespmem:$0x0];
	_ =	sdelay $0x4  }
0x1b: {  	v4 =	vshrl.u32 v3, $0x3  }
0x1c: {  	v4 =	vmul.u32 $0x30, v4  }
0x1d: {  	v3 =	vand.u32 $0x7, v3  }
0x1e: {  	v3 =	vor.u32 v3, v4  }
0x1f: {  	v4 =	vperm.xlane v3, v0;
	_ =	sdelay $0x1  }
0x20: {  	v4 =	vadd.s32 v1, v4;
	_ =	sdelay $0x3  }
0x21: {  	v3 =	vperm.xlane v3, v2  }
0x22: {  	[tilespmem:s8], [sflag:$0x1] =	stream.indirect_vreg.gather [hbm4b:s3+s2], $0x80, v4, vm0, $0xb8;
	[tilespmem:$0xC100] =	vst v63  }
0x23: {  	s1 =	rddreg [dreg:$0x6];
	v3 =	vadd.s32 v1, v3  }
0x24: {  	[tilespmem:s1], [sflag:$0x1] =	stream.indirect_vreg.gather [hbm4b:s4+s2], $0x80, v4, vm0, $0xb8;
	[tilespmem:$0xC100] =	vst v63  }
0x25: {  	s9 =	rddreg [dreg:$0x7]  }
0x26: {  	[tilespmem:s9], [sflag:$0x1] =	stream.indirect_vreg.gather [hbm4b:s5+s2], $0x80, v4, vm0, $0xb8;
	[tilespmem:$0xC100] =	vst v63  }
0x27: {  	s9 =	simm.s32 $0x1900  }
0x28: {  	[tilespmem:s9], [sflag:$0x1] =	stream.indirect_vreg.gather [hbm4b:s3+s2], $0x80, v3, vm0, $0xb8;
	[tilespmem:$0xC100] =	vst v63  }
0x29: {  	_ = 	snop  }
0x2a: {  	[tilespmem:s10], [sflag:$0x1] =	stream.indirect_vreg.gather [hbm4b:s4+s2], $0x80, v3, vm0, $0xb8;
	[tilespmem:$0xC100] =	vst v63  }
0x2b: {  	_ = 	snop  }
0x2c: {  	[tilespmem:s11], [sflag:$0x1] =	stream.indirect_vreg.gather [hbm4b:s5+s2], $0x80, v3, vm0, $0xb8;
	[tilespmem:$0xC100] =	vst v63  }
0x2d: {  	v3 =	vld [tilespmem:$0x10];
	_ =	sdelay $0x4  }
0x2e: {  	v61 =	vshrl.u32 v3, $0x3  }
0x2f: {  	v4 =	vmul.u32 $0x30, v61  }
0x30: {  	v3 =	vand.u32 $0x7, v3  }
0x31: {  	v3 =	vor.u32 v3, v4  }
0x32: {  	v4 =	vperm.xlane v3, v0;
	_ =	sdelay $0x1  }
0x33: {  	v4 =	vadd.s32 v1, v4;
	_ =	sdelay $0x3  }
0x34: {  	v3 =	vperm.xlane v3, v2  }
0x35: {  	[tilespmem:s12], [sflag:$0x1] =	stream.indirect_vreg.gather [hbm4b:s3+s2], $0x80, v4, vm0, $0xb8;
	[tilespmem:$0xC100] =	vst v63  }
0x36: {  	v3 =	vadd.s32 v1, v3  }
0x37: {  	[tilespmem:s13], [sflag:$0x1] =	stream.indirect_vreg.gather [hbm4b:s4+s2], $0x80, v4, vm0, $0xb8;
	[tilespmem:$0xC100] =	vst v63  }
0x38: {  	_ = 	snop  }
0x39: {  	[tilespmem:s14], [sflag:$0x1] =	stream.indirect_vreg.gather [hbm4b:s5+s2], $0x80, v4, vm0, $0xb8;
	[tilespmem:$0xC100] =	vst v63  }
0x3a: {  	_ = 	snop  }
0x3b: {  	[tilespmem:s15], [sflag:$0x1] =	stream.indirect_vreg.gather [hbm4b:s3+s2], $0x80, v3, vm0, $0xb8;
	[tilespmem:$0xC100] =	vst v63  }
0x3c: {  	_ = 	snop  }
0x3d: {  	[tilespmem:s16], [sflag:$0x1] =	stream.indirect_vreg.gather [hbm4b:s4+s2], $0x80, v3, vm0, $0xb8;
	[tilespmem:$0xC100] =	vst v63  }
0x3e: {  	_ = 	snop  }
0x3f: {  	[tilespmem:s17], [sflag:$0x1] =	stream.indirect_vreg.gather [hbm4b:s5+s2], $0x80, v3, vm0, $0xb8;
	[tilespmem:$0xC100] =	vst v63  }
0x40: {  	v3 =	vld [tilespmem:$0x80];
	_ =	sdelay $0x4  }
0x41: {  	v62 =	vshrl.u32 v3, $0x3  }
0x42: {  	v4 =	vmul.u32 $0x30, v62  }
0x43: {  	v3 =	vand.u32 $0x7, v3  }
0x44: {  	v3 =	vor.u32 v3, v4  }
0x45: {  	v4 =	vperm.xlane v3, v0;
	_ =	sdelay $0x1  }
0x46: {  	v4 =	vadd.s32 v1, v4;
	_ =	sdelay $0x3  }
0x47: {  	v3 =	vperm.xlane v3, v2  }
0x48: {  	[tilespmem:s18], [sflag:$0x2] =	stream.indirect_vreg.gather [hbm4b:s3+s2], $0x80, v4, vm0, $0xb8;
	[tilespmem:$0xC100] =	vst v63  }
0x49: {  	v3 =	vadd.s32 v1, v3  }
0x4a: {  	[tilespmem:s19], [sflag:$0x2] =	stream.indirect_vreg.gather [hbm4b:s4+s2], $0x80, v4, vm0, $0xb8;
	[tilespmem:$0xC100] =	vst v63  }
0x4b: {  	_ = 	snop  }
0x4c: {  	[tilespmem:s20], [sflag:$0x2] =	stream.indirect_vreg.gather [hbm4b:s5+s2], $0x80, v4, vm0, $0xb8;
	[tilespmem:$0xC100] =	vst v63  }
0x4d: {  	_ = 	snop  }
0x4e: {  	[tilespmem:s21], [sflag:$0x2] =	stream.indirect_vreg.gather [hbm4b:s3+s2], $0x80, v3, vm0, $0xb8;
	[tilespmem:$0xC100] =	vst v63  }
0x4f: {  	_ = 	snop  }
0x50: {  	[tilespmem:s22], [sflag:$0x2] =	stream.indirect_vreg.gather [hbm4b:s4+s2], $0x80, v3, vm0, $0xb8;
	[tilespmem:$0xC100] =	vst v63  }
0x51: {  	_ = 	snop  }
0x52: {  	[tilespmem:s23], [sflag:$0x2] =	stream.indirect_vreg.gather [hbm4b:s5+s2], $0x80, v3, vm0, $0xb8;
	[tilespmem:$0xC100] =	vst v63  }
0x53: {  	v3 =	vld [tilespmem:$0x90];
	_ =	sdelay $0x4  }
0x54: {  	v63 =	vshrl.u32 v3, $0x3  }
0x55: {  	v4 =	vmul.u32 $0x30, v63  }
0x56: {  	v3 =	vand.u32 $0x7, v3  }
0x57: {  	v3 =	vor.u32 v3, v4  }
0x58: {  	v4 =	vperm.xlane v3, v0;
	_ =	sdelay $0x1  }
0x59: {  	v4 =	vadd.s32 v1, v4;
	_ =	sdelay $0x3  }
0x5a: {  	v3 =	vperm.xlane v3, v2  }
0x5b: {  	[tilespmem:s24], [sflag:$0x2] =	stream.indirect_vreg.gather [hbm4b:s3+s2], $0x80, v4, vm0, $0xb8;
	[tilespmem:$0xC100] =	vst v63  }
0x5c: {  	v3 =	vadd.s32 v1, v3  }
0x5d: {  	[tilespmem:s25], [sflag:$0x2] =	stream.indirect_vreg.gather [hbm4b:s4+s2], $0x80, v4, vm0, $0xb8;
	[tilespmem:$0xC100] =	vst v63  }
0x5e: {  	_ = 	snop  }
0x5f: {  	[tilespmem:s26], [sflag:$0x2] =	stream.indirect_vreg.gather [hbm4b:s5+s2], $0x80, v4, vm0, $0xb8;
	[tilespmem:$0xC100] =	vst v63  }
0x60: {  	_ = 	snop  }
0x61: {  	[tilespmem:s28], [sflag:$0x2] =	stream.indirect_vreg.gather [hbm4b:s3+s2], $0x80, v3, vm0, $0xb8;
	[tilespmem:$0xC100] =	vst v63  }
0x62: {  	_ = 	snop  }
0x63: {  	[tilespmem:s29], [sflag:$0x2] =	stream.indirect_vreg.gather [hbm4b:s4+s2], $0x80, v3, vm0, $0xb8;
	[tilespmem:$0xC100] =	vst v63  }
0x64: {  	_ = 	snop  }
0x65: {  	[tilespmem:s30], [sflag:$0x2] =	stream.indirect_vreg.gather [hbm4b:s5+s2], $0x80, v3, vm0, $0xb8;
	[tilespmem:$0xC100] =	vst v63  }
0x66: {  	_ =	swait.ge [sflag:s31], $0x6000  }
0x67: {  	[sflag:s31] =	ssyncset.done $0x0  }
0x68: {  	s9 =	rddreg [dreg:$0x4];
	[sflag:s31] =	ssyncadd.s32 $0xFFFFA000  }
0x69: {  	[hbm4b:s9+s2] =	stream.linear.scatter [tilespmem:s8], [sflag:$0x3], $0x6000, $0x38;
	[tilespmem:$0xC100] =	vst v63  }
0x6a: {  	_ =	swait.ge [sflag:s7], $0x6000  }
0x6b: {  	[sflag:s7] =	ssyncset.done $0x0  }
0x6c: {  	[sflag:s7] =	ssyncadd.s32 $0xFFFFA000  }
0x6d: {  	_ =	swait.ge [sflag:s0], $0x6000  }
0x6e: {  	p0 =	sne.s32 s6, $0x1;
	[sflag:s0] =	ssyncset.done $0x0  }
.Ltmp0:
0x6f: {  	s9 =	rddreg [dreg:$0x5];
	[sflag:s0] =	ssyncadd.s32 $0xFFFFA000;
	(pc) =	sbr.rel @p0 .LBB2_1-.Ltmp0, $4  }
0x70: {  	[hbm4b:s9+s2] =	stream.linear.scatter [tilespmem:s18], [sflag:$0x3], $0x6000, $0x38;
	[tilespmem:$0xC100] =	vst v63  }
0x71: {  	_ =	swait.ge [sflag:s7], $0x6000  }
0x72: {  	[sflag:s7] =	ssyncset.done $0x0  }
0x73: {  	s6 =	sadd.s32 $0xFFFFFFFF, s6;
	[sflag:s7] =	ssyncadd.s32 $0xFFFFA000  }
0x74: {  	_ =	sfence.sel $0x180000  }
0x75: {  	[bflag:$0x0] =	sbarrier.arrive $0xFFFF  }
0x76: {  	_ =	strace $0x9000004A  }
0x77: {  	s0 =	stileid.u32;
	[bflag:$0x2] =	sbarrier.arrive $0xFFFF  }
0x78: {  	p0 =	sne.s32 s0, $0x0;
	s0 =	rddreg [dreg:$0x2]  }
0x79: {  	s0 =	sadd.s32 @!p0 $0x100000, s0  }
0x7a: {  	[sflag:s0] =	ssyncadd.tile.s32 @!p0 $0x1;
	_ =	shalt  }
.Lfunc_end2:
_tile_overlayer_lowered:
.L_overlay_start_2:
0x7b: {  	(tag) =	ssettag $0x2  }
0x7c: {  	s0 =	rddreg [dreg:$0x0];
	s2 =	stileid.u32  }
0x7d: {  	s1 =	rddreg [dreg:$0x1];
	p0 =	sne.s32 s2, $0x0  }
0x7e: {  	s3 =	rddreg [dreg:$0x2];
	[bflag:$0x3] =	sbarrier.arrive $0xFFFF;
	s2 =	simm.s32 @!p0 $0x1C03  }
0x7f: {  	[timem:s3], [sflag:s2] =	dma.local @!p0 [hbm:s0], s1  }
0x80: {  	s0 =	simm.s32 @!p0 $0x3  }
0x81: {  	_ =	swait.ge @!p0 [sflag:s0], s1  }
0x82: {  	s1 =	ssub.s32 @!p0 $0x0, s1;
	[sflag:s0] =	ssyncset.done @!p0 $0x0  }
0x83: {  	[sflag:s0] =	ssyncadd.s32 @!p0 s1  }
0x84: {  	[bflag:$0x3] =	sbarrier.arrive $0xFFFF  }
0x85: {  	_ =	shalt  }

</sc_bundles>
